<compile_context>
chip_gen: v7x
topology: tpu7x:2x2x1
jax: 0.10.2.dev20260603
libtpu: 0.0.44.dev20260713+nightly
codegen_flags: <defaults>
</compile_context>

<pallas_src>
import functools

import jax
import jax.numpy as jnp
from jax import lax
from jax.experimental import pallas as pl
from jax.experimental.pallas import tpu as pltpu
from jax.experimental.pallas import tpu_sc as plsc

N_SRC = 10000
N_DST = 10000
E = 320000
D = 128
DW = D // 2

NW = 32
EPW = E // NW
B = 80
NBLK = EPW // B
G = B // 16
L = 16
NSLOT = 6
TS = 17


def _body(zsrc_hbm, zdst_hbm, src_hbm, dst_hbm, out_hbm,
          sidx_v, didx_v, out_v, tsc_v, sb_v, db_v, sem_s, sem_d):
    nc = 2
    wid = lax.axis_index("s") * nc + lax.axis_index("c")
    base = wid * EPW

    pltpu.sync_copy(src_hbm.at[pl.ds(base, EPW)], sidx_v)
    pltpu.sync_copy(dst_hbm.at[pl.ds(base, EPW)], didx_v)

    lane = lax.iota(jnp.int32, 16)

    def fire(b, sl):
        pltpu.async_copy(zsrc_hbm.at[sidx_v.at[pl.ds(b * B, B)]],
                         sb_v.at[sl], sem_s)
        pltpu.async_copy(zdst_hbm.at[didx_v.at[pl.ds(b * B, B)]],
                         db_v.at[sl], sem_d)

    def drain(b, sl):
        pltpu.make_async_copy(zsrc_hbm.at[sidx_v.at[pl.ds(b * B, B)]],
                              sb_v.at[sl], sem_s).wait()
        pltpu.make_async_copy(zdst_hbm.at[didx_v.at[pl.ds(b * B, B)]],
                              db_v.at[sl], sem_d).wait()

    def compute(b, sl):
        def group(g, carry):
            ebase = g * L
            for e in range(L):
                row = ebase + e
                prods = []
                for k in range(DW // L):
                    ws = sb_v[sl, row, pl.ds(k * L, L)]
                    wd = db_v[sl, row, pl.ds(k * L, L)]
                    prods.append(plsc.bitcast(ws, jnp.bfloat16)
                                 * plsc.bitcast(wd, jnp.bfloat16))
                while len(prods) > 1:
                    prods = [prods[i] + prods[i + 1]
                             for i in range(0, len(prods), 2)]
                pa, pb = plsc.unpack(
                    prods[0], format=plsc.PackFormat.INTERLEAVED)
                plsc.store_scatter(tsc_v, [lane + (e * TS)], pa + pb)
            res = jnp.zeros((L,), jnp.float32)
            for c in range(L):
                res = res + plsc.load_gather(tsc_v, [lane * TS + c])
            out_v[pl.ds(b * B + g * L, L)] = 1.0 / (1.0 + jnp.exp(-res))
            return carry

        lax.fori_loop(0, G, group, 0)

    for s in range(NSLOT):
        fire(s, s)

    def step(j, s):
        drain(j, s)
        compute(j, s)

        @pl.when(j + NSLOT <= NBLK - 1)
        def _():
            fire(j + NSLOT, s)

        return lax.select(s + 1 == NSLOT, 0, s + 1)

    lax.fori_loop(0, NBLK, step, 0)

    pltpu.sync_copy(out_v, out_hbm.at[pl.ds(base, EPW)])


def _pack_table(z):
    r = lax.bitcast_convert_type(z, jnp.uint32)
    b = (r + jnp.uint32(0x7FFF) + ((r >> 16) & jnp.uint32(1))) >> 16
    half = z.shape[1] // 2
    word = b[:, :half] | (b[:, half:] << 16)
    return lax.bitcast_convert_type(word, jnp.int32)


@functools.partial(jax.jit, static_argnums=())
def _run(z_source, z_dest, triplets):
    mesh = plsc.VectorSubcoreMesh(core_axis_name="c", subcore_axis_name="s")
    kfn = pl.kernel(
        _body,
        mesh=mesh,
        out_type=jax.ShapeDtypeStruct((E,), jnp.float32),
        scratch_types=[
            pltpu.VMEM((EPW,), jnp.int32),
            pltpu.VMEM((EPW,), jnp.int32),
            pltpu.VMEM((EPW,), jnp.float32),
            pltpu.VMEM((L * TS,), jnp.float32),
            pltpu.VMEM((NSLOT, B, DW), jnp.int32),
            pltpu.VMEM((NSLOT, B, DW), jnp.int32),
            pltpu.SemaphoreType.DMA,
            pltpu.SemaphoreType.DMA,
        ],
        compiler_params=pltpu.CompilerParams(
            needs_layout_passes=False, use_tc_tiling_on_sc=False),
    )
    return kfn(_pack_table(z_source), _pack_table(z_dest),
               triplets[0], triplets[1])


def kernel(z_source, z_dest, triplets):
    return _run(z_source, z_dest, triplets)

# --- scband reference (transcript-rebuilt; emitter-appended) ---
"""Pipeline reference for scband-hetero-inner-product-decoder-55035710931115 (READ-ONLY COPY).

The authoritative reference and input builder live on the scoring server;
editing this copy changes nothing except your own understanding.
"""

import jax, jax.numpy as jnp
import numpy as np

N_SRC = 10000
N_DST = 10000
E = 320000
D = 128


def setup_inputs(seed: int = 0) -> dict:
    key = jax.random.key(seed)
    k1, k2, k3, k4 = jax.random.split(key, 4)
    z_source = jax.random.normal(k1, (N_SRC, D), dtype=jnp.float32)
    z_dest = jax.random.normal(k2, (N_DST, D), dtype=jnp.float32)
    src = jax.random.randint(k3, (E,), 0, N_SRC, dtype=jnp.int32)
    dst = jax.random.randint(k4, (E,), 0, N_DST, dtype=jnp.int32)
    triplets = jnp.stack([src, dst], axis=0)
    return {"z_source": z_source, "z_dest": z_dest, "triplets": triplets}


def reference(z_source, z_dest, triplets):
    # HeteroInnerProductDecoder.forward with sigmoid=True
    # z[self._source_node] -> z_source, z[self._dest_node] -> z_dest
    # triplets = edge_index[(source_node, rel, dest_node)]
    src_emb = jnp.take(z_source, triplets[0], axis=0)  # gather [E, D]
    dst_emb = jnp.take(z_dest, triplets[1], axis=0)    # gather [E, D]
    value = (src_emb * dst_emb).sum(axis=1)            # [E]
    return jax.nn.sigmoid(value)

if __name__ == "__main__":
    import jax
    _d = setup_inputs()
    print(jax.jit(kernel)(*tuple(_d.values())))

</pallas_src>

<mosaic_0001>
#map = affine_map<(d0, d1) -> (0, 0)>
#map1 = affine_map<(d0, d1) -> (0)>
module attributes {stable_mosaic.version = 14 : i64} {
  func.func @_body(%arg0: i32, %arg1: i32, %arg2: memref<10000x64xi32, #tpu.memory_space<hbm>>, %arg3: memref<10000x64xi32, #tpu.memory_space<hbm>>, %arg4: memref<320000xi32, #tpu.memory_space<hbm>>, %arg5: memref<320000xi32, #tpu.memory_space<hbm>>, %arg6: memref<320000xf32, #tpu.memory_space<hbm>>, %arg7: memref<10000xi32, #tpu.memory_space<vmem>>, %arg8: memref<10000xi32, #tpu.memory_space<vmem>>, %arg9: memref<10000xf32, #tpu.memory_space<vmem>>, %arg10: memref<272xf32, #tpu.memory_space<vmem>>, %arg11: memref<6x80x64xi32, #tpu.memory_space<vmem>>, %arg12: memref<6x80x64xi32, #tpu.memory_space<vmem>>, %arg13: memref<!tpu.dma_semaphore, #tpu.memory_space<semaphore_mem>>, %arg14: memref<!tpu.dma_semaphore, #tpu.memory_space<semaphore_mem>>) attributes {dimension_semantics = [#tpu.dimension_semantics<core_parallel>, #tpu.dimension_semantics<subcore_parallel>], iteration_bounds = array<i64: 2, 16>, scalar_prefetch = 0 : i64, scratch_operands = 8 : i64, tpu.core_type = #tpu.core_type<sc_vector_subcore>, window_params = [{transform_indices = #map}, {transform_indices = #map}, {transform_indices = #map1}, {transform_indices = #map1}, {transform_indices = #map1}]} {
    %mul3A = arith.constant 2 : i32
    %mul3A_0 = arith.muli %arg1, %mul3A : i32
    %add3A = arith.addi %mul3A_0, %arg0 : i32
    %mul3A_1 = arith.constant 10000 : i32
    %mul3A_2 = arith.muli %add3A, %mul3A_1 : i32
    "tpu.region"() ({
      %run_scoped3A = tpu.sem_alloc : memref<!tpu.dma_semaphore, #tpu.memory_space<semaphore_mem>>
      %dma_start3A_128 = tpu.memref_slice %arg4[%mul3A_2] : memref<320000xi32, #tpu.memory_space<hbm>> -> memref<10000xi32, #tpu.memory_space<hbm>>
      %dma_start3A_129 = tpu.memref_slice %arg4[%mul3A_2] : memref<320000xi32, #tpu.memory_space<hbm>> -> memref<10000xi32, #tpu.memory_space<hbm>>
      tpu.enqueue_dma source(%dma_start3A_129 : memref<10000xi32, #tpu.memory_space<hbm>>) target(%arg7 : memref<10000xi32, #tpu.memory_space<vmem>>) target_semaphore(%run_scoped3A : memref<!tpu.dma_semaphore, #tpu.memory_space<semaphore_mem>>)
      %dma_wait3A = tpu.memref_slice %arg4[%mul3A_2] : memref<320000xi32, #tpu.memory_space<hbm>> -> memref<10000xi32, #tpu.memory_space<hbm>>
      %dma_wait3A_130 = tpu.memref_slice %arg4[%mul3A_2] : memref<320000xi32, #tpu.memory_space<hbm>> -> memref<10000xi32, #tpu.memory_space<hbm>>
      tpu.wait_dma2 semaphore(%run_scoped3A : memref<!tpu.dma_semaphore, #tpu.memory_space<semaphore_mem>>) src(%dma_wait3A_130 : memref<10000xi32, #tpu.memory_space<hbm>>) dst(%arg7 : memref<10000xi32, #tpu.memory_space<vmem>>)
      tpu.yield
    }) : () -> ()
    "tpu.region"() ({
      %run_scoped3A = tpu.sem_alloc : memref<!tpu.dma_semaphore, #tpu.memory_space<semaphore_mem>>
      %dma_start3A_128 = tpu.memref_slice %arg5[%mul3A_2] : memref<320000xi32, #tpu.memory_space<hbm>> -> memref<10000xi32, #tpu.memory_space<hbm>>
      %dma_start3A_129 = tpu.memref_slice %arg5[%mul3A_2] : memref<320000xi32, #tpu.memory_space<hbm>> -> memref<10000xi32, #tpu.memory_space<hbm>>
      tpu.enqueue_dma source(%dma_start3A_129 : memref<10000xi32, #tpu.memory_space<hbm>>) target(%arg8 : memref<10000xi32, #tpu.memory_space<vmem>>) target_semaphore(%run_scoped3A : memref<!tpu.dma_semaphore, #tpu.memory_space<semaphore_mem>>)
      %dma_wait3A = tpu.memref_slice %arg5[%mul3A_2] : memref<320000xi32, #tpu.memory_space<hbm>> -> memref<10000xi32, #tpu.memory_space<hbm>>
      %dma_wait3A_130 = tpu.memref_slice %arg5[%mul3A_2] : memref<320000xi32, #tpu.memory_space<hbm>> -> memref<10000xi32, #tpu.memory_space<hbm>>
      tpu.wait_dma2 semaphore(%run_scoped3A : memref<!tpu.dma_semaphore, #tpu.memory_space<semaphore_mem>>) src(%dma_wait3A_130 : memref<10000xi32, #tpu.memory_space<hbm>>) dst(%arg8 : memref<10000xi32, #tpu.memory_space<vmem>>)
      tpu.yield
    }) : () -> ()
    %iota3A = tpu.iota {dimensions = array<i32: 0>} : vector<16xi32>
    %dma_start3A = arith.constant 0 : i32
    %dma_start3A_3 = arith.constant 0 : i32
    %dma_start3A_4 = arith.constant 0 : i32
    %dma_start3A_5 = tpu.memref_slice %arg11[%dma_start3A, %dma_start3A_3, %dma_start3A_4] : memref<6x80x64xi32, #tpu.memory_space<vmem>> -> memref<1x80x64xi32, #tpu.memory_space<vmem>>
    %dma_start3A_6 = tpu.memref_squeeze %dma_start3A_5 : memref<1x80x64xi32, #tpu.memory_space<vmem>> -> memref<80x64xi32, #tpu.memory_space<vmem>>
    %dma_start3A_7 = arith.constant 0 : i32
    %dma_start3A_8 = tpu.memref_slice %arg7[%dma_start3A_7] : memref<10000xi32, #tpu.memory_space<vmem>> -> memref<80xi32, #tpu.memory_space<vmem>>
    %dma_start3A_9 = arith.constant 0 : i32
    %dma_start3A_10 = arith.constant 0 : i32
    %dma_start3A_11 = tpu.memref_slice %arg2[%dma_start3A_9, %dma_start3A_10] : memref<10000x64xi32, #tpu.memory_space<hbm>> -> memref<10000x64xi32, #tpu.memory_space<hbm>>
    tpu.enqueue_indirect_dma source(%dma_start3A_11 : memref<10000x64xi32, #tpu.memory_space<hbm>>) target(%dma_start3A_6 : memref<80x64xi32, #tpu.memory_space<vmem>>) offsets(%dma_start3A_8 : memref<80xi32, #tpu.memory_space<vmem>>) semaphore(%arg13 : memref<!tpu.dma_semaphore, #tpu.memory_space<semaphore_mem>>)
    %dma_start3A_12 = arith.constant 0 : i32
    %dma_start3A_13 = arith.constant 0 : i32
    %dma_start3A_14 = arith.constant 0 : i32
    %dma_start3A_15 = tpu.memref_slice %arg12[%dma_start3A_12, %dma_start3A_13, %dma_start3A_14] : memref<6x80x64xi32, #tpu.memory_space<vmem>> -> memref<1x80x64xi32, #tpu.memory_space<vmem>>
    %dma_start3A_16 = tpu.memref_squeeze %dma_start3A_15 : memref<1x80x64xi32, #tpu.memory_space<vmem>> -> memref<80x64xi32, #tpu.memory_space<vmem>>
    %dma_start3A_17 = arith.constant 0 : i32
    %dma_start3A_18 = tpu.memref_slice %arg8[%dma_start3A_17] : memref<10000xi32, #tpu.memory_space<vmem>> -> memref<80xi32, #tpu.memory_space<vmem>>
    %dma_start3A_19 = arith.constant 0 : i32
    %dma_start3A_20 = arith.constant 0 : i32
    %dma_start3A_21 = tpu.memref_slice %arg3[%dma_start3A_19, %dma_start3A_20] : memref<10000x64xi32, #tpu.memory_space<hbm>> -> memref<10000x64xi32, #tpu.memory_space<hbm>>
    tpu.enqueue_indirect_dma source(%dma_start3A_21 : memref<10000x64xi32, #tpu.memory_space<hbm>>) target(%dma_start3A_16 : memref<80x64xi32, #tpu.memory_space<vmem>>) offsets(%dma_start3A_18 : memref<80xi32, #tpu.memory_space<vmem>>) semaphore(%arg14 : memref<!tpu.dma_semaphore, #tpu.memory_space<semaphore_mem>>)
    %dma_start3A_22 = arith.constant 1 : i32
    %dma_start3A_23 = arith.constant 0 : i32
    %dma_start3A_24 = arith.constant 0 : i32
    %dma_start3A_25 = tpu.memref_slice %arg11[%dma_start3A_22, %dma_start3A_23, %dma_start3A_24] : memref<6x80x64xi32, #tpu.memory_space<vmem>> -> memref<1x80x64xi32, #tpu.memory_space<vmem>>
    %dma_start3A_26 = tpu.memref_squeeze %dma_start3A_25 : memref<1x80x64xi32, #tpu.memory_space<vmem>> -> memref<80x64xi32, #tpu.memory_space<vmem>>
    %dma_start3A_27 = arith.constant 80 : i32
    %dma_start3A_28 = tpu.memref_slice %arg7[%dma_start3A_27] : memref<10000xi32, #tpu.memory_space<vmem>> -> memref<80xi32, #tpu.memory_space<vmem>>
    %dma_start3A_29 = arith.constant 0 : i32
    %dma_start3A_30 = arith.constant 0 : i32
    %dma_start3A_31 = tpu.memref_slice %arg2[%dma_start3A_29, %dma_start3A_30] : memref<10000x64xi32, #tpu.memory_space<hbm>> -> memref<10000x64xi32, #tpu.memory_space<hbm>>
    tpu.enqueue_indirect_dma source(%dma_start3A_31 : memref<10000x64xi32, #tpu.memory_space<hbm>>) target(%dma_start3A_26 : memref<80x64xi32, #tpu.memory_space<vmem>>) offsets(%dma_start3A_28 : memref<80xi32, #tpu.memory_space<vmem>>) semaphore(%arg13 : memref<!tpu.dma_semaphore, #tpu.memory_space<semaphore_mem>>)
    %dma_start3A_32 = arith.constant 1 : i32
    %dma_start3A_33 = arith.constant 0 : i32
    %dma_start3A_34 = arith.constant 0 : i32
    %dma_start3A_35 = tpu.memref_slice %arg12[%dma_start3A_32, %dma_start3A_33, %dma_start3A_34] : memref<6x80x64xi32, #tpu.memory_space<vmem>> -> memref<1x80x64xi32, #tpu.memory_space<vmem>>
    %dma_start3A_36 = tpu.memref_squeeze %dma_start3A_35 : memref<1x80x64xi32, #tpu.memory_space<vmem>> -> memref<80x64xi32, #tpu.memory_space<vmem>>
    %dma_start3A_37 = arith.constant 80 : i32
    %dma_start3A_38 = tpu.memref_slice %arg8[%dma_start3A_37] : memref<10000xi32, #tpu.memory_space<vmem>> -> memref<80xi32, #tpu.memory_space<vmem>>
    %dma_start3A_39 = arith.constant 0 : i32
    %dma_start3A_40 = arith.constant 0 : i32
    %dma_start3A_41 = tpu.memref_slice %arg3[%dma_start3A_39, %dma_start3A_40] : memref<10000x64xi32, #tpu.memory_space<hbm>> -> memref<10000x64xi32, #tpu.memory_space<hbm>>
    tpu.enqueue_indirect_dma source(%dma_start3A_41 : memref<10000x64xi32, #tpu.memory_space<hbm>>) target(%dma_start3A_36 : memref<80x64xi32, #tpu.memory_space<vmem>>) offsets(%dma_start3A_38 : memref<80xi32, #tpu.memory_space<vmem>>) semaphore(%arg14 : memref<!tpu.dma_semaphore, #tpu.memory_space<semaphore_mem>>)
    %dma_start3A_42 = arith.constant 2 : i32
    %dma_start3A_43 = arith.constant 0 : i32
    %dma_start3A_44 = arith.constant 0 : i32
    %dma_start3A_45 = tpu.memref_slice %arg11[%dma_start3A_42, %dma_start3A_43, %dma_start3A_44] : memref<6x80x64xi32, #tpu.memory_space<vmem>> -> memref<1x80x64xi32, #tpu.memory_space<vmem>>
    %dma_start3A_46 = tpu.memref_squeeze %dma_start3A_45 : memref<1x80x64xi32, #tpu.memory_space<vmem>> -> memref<80x64xi32, #tpu.memory_space<vmem>>
    %dma_start3A_47 = arith.constant 160 : i32
    %dma_start3A_48 = tpu.memref_slice %arg7[%dma_start3A_47] : memref<10000xi32, #tpu.memory_space<vmem>> -> memref<80xi32, #tpu.memory_space<vmem>>
    %dma_start3A_49 = arith.constant 0 : i32
    %dma_start3A_50 = arith.constant 0 : i32
    %dma_start3A_51 = tpu.memref_slice %arg2[%dma_start3A_49, %dma_start3A_50] : memref<10000x64xi32, #tpu.memory_space<hbm>> -> memref<10000x64xi32, #tpu.memory_space<hbm>>
    tpu.enqueue_indirect_dma source(%dma_start3A_51 : memref<10000x64xi32, #tpu.memory_space<hbm>>) target(%dma_start3A_46 : memref<80x64xi32, #tpu.memory_space<vmem>>) offsets(%dma_start3A_48 : memref<80xi32, #tpu.memory_space<vmem>>) semaphore(%arg13 : memref<!tpu.dma_semaphore, #tpu.memory_space<semaphore_mem>>)
    %dma_start3A_52 = arith.constant 2 : i32
    %dma_start3A_53 = arith.constant 0 : i32
    %dma_start3A_54 = arith.constant 0 : i32
    %dma_start3A_55 = tpu.memref_slice %arg12[%dma_start3A_52, %dma_start3A_53, %dma_start3A_54] : memref<6x80x64xi32, #tpu.memory_space<vmem>> -> memref<1x80x64xi32, #tpu.memory_space<vmem>>
    %dma_start3A_56 = tpu.memref_squeeze %dma_start3A_55 : memref<1x80x64xi32, #tpu.memory_space<vmem>> -> memref<80x64xi32, #tpu.memory_space<vmem>>
    %dma_start3A_57 = arith.constant 160 : i32
    %dma_start3A_58 = tpu.memref_slice %arg8[%dma_start3A_57] : memref<10000xi32, #tpu.memory_space<vmem>> -> memref<80xi32, #tpu.memory_space<vmem>>
    %dma_start3A_59 = arith.constant 0 : i32
    %dma_start3A_60 = arith.constant 0 : i32
    %dma_start3A_61 = tpu.memref_slice %arg3[%dma_start3A_59, %dma_start3A_60] : memref<10000x64xi32, #tpu.memory_space<hbm>> -> memref<10000x64xi32, #tpu.memory_space<hbm>>
    tpu.enqueue_indirect_dma source(%dma_start3A_61 : memref<10000x64xi32, #tpu.memory_space<hbm>>) target(%dma_start3A_56 : memref<80x64xi32, #tpu.memory_space<vmem>>) offsets(%dma_start3A_58 : memref<80xi32, #tpu.memory_space<vmem>>) semaphore(%arg14 : memref<!tpu.dma_semaphore, #tpu.memory_space<semaphore_mem>>)
    %dma_start3A_62 = arith.constant 3 : i32
    %dma_start3A_63 = arith.constant 0 : i32
    %dma_start3A_64 = arith.constant 0 : i32
    %dma_start3A_65 = tpu.memref_slice %arg11[%dma_start3A_62, %dma_start3A_63, %dma_start3A_64] : memref<6x80x64xi32, #tpu.memory_space<vmem>> -> memref<1x80x64xi32, #tpu.memory_space<vmem>>
    %dma_start3A_66 = tpu.memref_squeeze %dma_start3A_65 : memref<1x80x64xi32, #tpu.memory_space<vmem>> -> memref<80x64xi32, #tpu.memory_space<vmem>>
    %dma_start3A_67 = arith.constant 240 : i32
    %dma_start3A_68 = tpu.memref_slice %arg7[%dma_start3A_67] : memref<10000xi32, #tpu.memory_space<vmem>> -> memref<80xi32, #tpu.memory_space<vmem>>
    %dma_start3A_69 = arith.constant 0 : i32
    %dma_start3A_70 = arith.constant 0 : i32
    %dma_start3A_71 = tpu.memref_slice %arg2[%dma_start3A_69, %dma_start3A_70] : memref<10000x64xi32, #tpu.memory_space<hbm>> -> memref<10000x64xi32, #tpu.memory_space<hbm>>
    tpu.enqueue_indirect_dma source(%dma_start3A_71 : memref<10000x64xi32, #tpu.memory_space<hbm>>) target(%dma_start3A_66 : memref<80x64xi32, #tpu.memory_space<vmem>>) offsets(%dma_start3A_68 : memref<80xi32, #tpu.memory_space<vmem>>) semaphore(%arg13 : memref<!tpu.dma_semaphore, #tpu.memory_space<semaphore_mem>>)
    %dma_start3A_72 = arith.constant 3 : i32
    %dma_start3A_73 = arith.constant 0 : i32
    %dma_start3A_74 = arith.constant 0 : i32
    %dma_start3A_75 = tpu.memref_slice %arg12[%dma_start3A_72, %dma_start3A_73, %dma_start3A_74] : memref<6x80x64xi32, #tpu.memory_space<vmem>> -> memref<1x80x64xi32, #tpu.memory_space<vmem>>
    %dma_start3A_76 = tpu.memref_squeeze %dma_start3A_75 : memref<1x80x64xi32, #tpu.memory_space<vmem>> -> memref<80x64xi32, #tpu.memory_space<vmem>>
    %dma_start3A_77 = arith.constant 240 : i32
    %dma_start3A_78 = tpu.memref_slice %arg8[%dma_start3A_77] : memref<10000xi32, #tpu.memory_space<vmem>> -> memref<80xi32, #tpu.memory_space<vmem>>
    %dma_start3A_79 = arith.constant 0 : i32
    %dma_start3A_80 = arith.constant 0 : i32
    %dma_start3A_81 = tpu.memref_slice %arg3[%dma_start3A_79, %dma_start3A_80] : memref<10000x64xi32, #tpu.memory_space<hbm>> -> memref<10000x64xi32, #tpu.memory_space<hbm>>
    tpu.enqueue_indirect_dma source(%dma_start3A_81 : memref<10000x64xi32, #tpu.memory_space<hbm>>) target(%dma_start3A_76 : memref<80x64xi32, #tpu.memory_space<vmem>>) offsets(%dma_start3A_78 : memref<80xi32, #tpu.memory_space<vmem>>) semaphore(%arg14 : memref<!tpu.dma_semaphore, #tpu.memory_space<semaphore_mem>>)
    %dma_start3A_82 = arith.constant 4 : i32
    %dma_start3A_83 = arith.constant 0 : i32
    %dma_start3A_84 = arith.constant 0 : i32
    %dma_start3A_85 = tpu.memref_slice %arg11[%dma_start3A_82, %dma_start3A_83, %dma_start3A_84] : memref<6x80x64xi32, #tpu.memory_space<vmem>> -> memref<1x80x64xi32, #tpu.memory_space<vmem>>
    %dma_start3A_86 = tpu.memref_squeeze %dma_start3A_85 : memref<1x80x64xi32, #tpu.memory_space<vmem>> -> memref<80x64xi32, #tpu.memory_space<vmem>>
    %dma_start3A_87 = arith.constant 320 : i32
    %dma_start3A_88 = tpu.memref_slice %arg7[%dma_start3A_87] : memref<10000xi32, #tpu.memory_space<vmem>> -> memref<80xi32, #tpu.memory_space<vmem>>
    %dma_start3A_89 = arith.constant 0 : i32
    %dma_start3A_90 = arith.constant 0 : i32
    %dma_start3A_91 = tpu.memref_slice %arg2[%dma_start3A_89, %dma_start3A_90] : memref<10000x64xi32, #tpu.memory_space<hbm>> -> memref<10000x64xi32, #tpu.memory_space<hbm>>
    tpu.enqueue_indirect_dma source(%dma_start3A_91 : memref<10000x64xi32, #tpu.memory_space<hbm>>) target(%dma_start3A_86 : memref<80x64xi32, #tpu.memory_space<vmem>>) offsets(%dma_start3A_88 : memref<80xi32, #tpu.memory_space<vmem>>) semaphore(%arg13 : memref<!tpu.dma_semaphore, #tpu.memory_space<semaphore_mem>>)
    %dma_start3A_92 = arith.constant 4 : i32
    %dma_start3A_93 = arith.constant 0 : i32
    %dma_start3A_94 = arith.constant 0 : i32
    %dma_start3A_95 = tpu.memref_slice %arg12[%dma_start3A_92, %dma_start3A_93, %dma_start3A_94] : memref<6x80x64xi32, #tpu.memory_space<vmem>> -> memref<1x80x64xi32, #tpu.memory_space<vmem>>
    %dma_start3A_96 = tpu.memref_squeeze %dma_start3A_95 : memref<1x80x64xi32, #tpu.memory_space<vmem>> -> memref<80x64xi32, #tpu.memory_space<vmem>>
    %dma_start3A_97 = arith.constant 320 : i32
    %dma_start3A_98 = tpu.memref_slice %arg8[%dma_start3A_97] : memref<10000xi32, #tpu.memory_space<vmem>> -> memref<80xi32, #tpu.memory_space<vmem>>
    %dma_start3A_99 = arith.constant 0 : i32
    %dma_start3A_100 = arith.constant 0 : i32
    %dma_start3A_101 = tpu.memref_slice %arg3[%dma_start3A_99, %dma_start3A_100] : memref<10000x64xi32, #tpu.memory_space<hbm>> -> memref<10000x64xi32, #tpu.memory_space<hbm>>
    tpu.enqueue_indirect_dma source(%dma_start3A_101 : memref<10000x64xi32, #tpu.memory_space<hbm>>) target(%dma_start3A_96 : memref<80x64xi32, #tpu.memory_space<vmem>>) offsets(%dma_start3A_98 : memref<80xi32, #tpu.memory_space<vmem>>) semaphore(%arg14 : memref<!tpu.dma_semaphore, #tpu.memory_space<semaphore_mem>>)
    %dma_start3A_102 = arith.constant 5 : i32
    %dma_start3A_103 = arith.constant 0 : i32
    %dma_start3A_104 = arith.constant 0 : i32
    %dma_start3A_105 = tpu.memref_slice %arg11[%dma_start3A_102, %dma_start3A_103, %dma_start3A_104] : memref<6x80x64xi32, #tpu.memory_space<vmem>> -> memref<1x80x64xi32, #tpu.memory_space<vmem>>
    %dma_start3A_106 = tpu.memref_squeeze %dma_start3A_105 : memref<1x80x64xi32, #tpu.memory_space<vmem>> -> memref<80x64xi32, #tpu.memory_space<vmem>>
    %dma_start3A_107 = arith.constant 400 : i32
    %dma_start3A_108 = tpu.memref_slice %arg7[%dma_start3A_107] : memref<10000xi32, #tpu.memory_space<vmem>> -> memref<80xi32, #tpu.memory_space<vmem>>
    %dma_start3A_109 = arith.constant 0 : i32
    %dma_start3A_110 = arith.constant 0 : i32
    %dma_start3A_111 = tpu.memref_slice %arg2[%dma_start3A_109, %dma_start3A_110] : memref<10000x64xi32, #tpu.memory_space<hbm>> -> memref<10000x64xi32, #tpu.memory_space<hbm>>
    tpu.enqueue_indirect_dma source(%dma_start3A_111 : memref<10000x64xi32, #tpu.memory_space<hbm>>) target(%dma_start3A_106 : memref<80x64xi32, #tpu.memory_space<vmem>>) offsets(%dma_start3A_108 : memref<80xi32, #tpu.memory_space<vmem>>) semaphore(%arg13 : memref<!tpu.dma_semaphore, #tpu.memory_space<semaphore_mem>>)
    %dma_start3A_112 = arith.constant 5 : i32
    %dma_start3A_113 = arith.constant 0 : i32
    %dma_start3A_114 = arith.constant 0 : i32
    %dma_start3A_115 = tpu.memref_slice %arg12[%dma_start3A_112, %dma_start3A_113, %dma_start3A_114] : memref<6x80x64xi32, #tpu.memory_space<vmem>> -> memref<1x80x64xi32, #tpu.memory_space<vmem>>
    %dma_start3A_116 = tpu.memref_squeeze %dma_start3A_115 : memref<1x80x64xi32, #tpu.memory_space<vmem>> -> memref<80x64xi32, #tpu.memory_space<vmem>>
    %dma_start3A_117 = arith.constant 400 : i32
    %dma_start3A_118 = tpu.memref_slice %arg8[%dma_start3A_117] : memref<10000xi32, #tpu.memory_space<vmem>> -> memref<80xi32, #tpu.memory_space<vmem>>
    %dma_start3A_119 = arith.constant 0 : i32
    %dma_start3A_120 = arith.constant 0 : i32
    %dma_start3A_121 = tpu.memref_slice %arg3[%dma_start3A_119, %dma_start3A_120] : memref<10000x64xi32, #tpu.memory_space<hbm>> -> memref<10000x64xi32, #tpu.memory_space<hbm>>
    tpu.enqueue_indirect_dma source(%dma_start3A_121 : memref<10000x64xi32, #tpu.memory_space<hbm>>) target(%dma_start3A_116 : memref<80x64xi32, #tpu.memory_space<vmem>>) offsets(%dma_start3A_118 : memref<80xi32, #tpu.memory_space<vmem>>) semaphore(%arg14 : memref<!tpu.dma_semaphore, #tpu.memory_space<semaphore_mem>>)
    %scan3A = arith.constant 0 : i32
    %scan3A_122 = arith.constant 0 : i32
    %scan3A_123 = arith.constant 125 : i32
    %scan3A_124 = arith.addi %scan3A_122, %scan3A_123 : i32
    %scan3A_125 = arith.constant 1 : i32
    %scan3A_126 = scf.for %scan3A_128 = %scan3A_122 to %scan3A_124 step %scan3A_125 iter_args(%scan3A_129 = %scan3A) -> (i32)  : i32 {
      %mul3A_130 = arith.constant 80 : i32
      %mul3A_131 = arith.muli %scan3A_128, %mul3A_130 : i32
      %dma_wait3A = arith.constant 0 : i32
      %dma_wait3A_132 = arith.constant 0 : i32
      %dma_wait3A_133 = tpu.memref_slice %arg11[%scan3A_129, %dma_wait3A, %dma_wait3A_132] : memref<6x80x64xi32, #tpu.memory_space<vmem>> -> memref<1x80x64xi32, #tpu.memory_space<vmem>>
      %dma_wait3A_134 = tpu.memref_squeeze %dma_wait3A_133 : memref<1x80x64xi32, #tpu.memory_space<vmem>> -> memref<80x64xi32, #tpu.memory_space<vmem>>
      %dma_wait3A_135 = tpu.memref_slice %arg7[%mul3A_131] : memref<10000xi32, #tpu.memory_space<vmem>> -> memref<80xi32, #tpu.memory_space<vmem>>
      %dma_wait3A_136 = arith.constant 0 : i32
      %dma_wait3A_137 = arith.constant 0 : i32
      %dma_wait3A_138 = tpu.memref_slice %arg2[%dma_wait3A_136, %dma_wait3A_137] : memref<10000x64xi32, #tpu.memory_space<hbm>> -> memref<10000x64xi32, #tpu.memory_space<hbm>>
      tpu.wait_indirect_dma semaphore(%arg13 : memref<!tpu.dma_semaphore, #tpu.memory_space<semaphore_mem>>) src(%dma_wait3A_138 : memref<10000x64xi32, #tpu.memory_space<hbm>>) dst(%dma_wait3A_134 : memref<80x64xi32, #tpu.memory_space<vmem>>)
      %mul3A_139 = arith.constant 80 : i32
      %mul3A_140 = arith.muli %scan3A_128, %mul3A_139 : i32
      %dma_wait3A_141 = arith.constant 0 : i32
      %dma_wait3A_142 = arith.constant 0 : i32
      %dma_wait3A_143 = tpu.memref_slice %arg12[%scan3A_129, %dma_wait3A_141, %dma_wait3A_142] : memref<6x80x64xi32, #tpu.memory_space<vmem>> -> memref<1x80x64xi32, #tpu.memory_space<vmem>>
      %dma_wait3A_144 = tpu.memref_squeeze %dma_wait3A_143 : memref<1x80x64xi32, #tpu.memory_space<vmem>> -> memref<80x64xi32, #tpu.memory_space<vmem>>
      %dma_wait3A_145 = tpu.memref_slice %arg8[%mul3A_140] : memref<10000xi32, #tpu.memory_space<vmem>> -> memref<80xi32, #tpu.memory_space<vmem>>
      %dma_wait3A_146 = arith.constant 0 : i32
      %dma_wait3A_147 = arith.constant 0 : i32
      %dma_wait3A_148 = tpu.memref_slice %arg3[%dma_wait3A_146, %dma_wait3A_147] : memref<10000x64xi32, #tpu.memory_space<hbm>> -> memref<10000x64xi32, #tpu.memory_space<hbm>>
      tpu.wait_indirect_dma semaphore(%arg14 : memref<!tpu.dma_semaphore, #tpu.memory_space<semaphore_mem>>) src(%dma_wait3A_148 : memref<10000x64xi32, #tpu.memory_space<hbm>>) dst(%dma_wait3A_144 : memref<80x64xi32, #tpu.memory_space<vmem>>)
      %scan3A_149 = arith.constant 0 : i32
      %scan3A_150 = arith.constant 0 : i32
      %scan3A_151 = arith.constant 5 : i32
      %scan3A_152 = arith.addi %scan3A_150, %scan3A_151 : i32
      %scan3A_153 = arith.constant 1 : i32
      scf.for %scan3A_165 = %scan3A_150 to %scan3A_152 step %scan3A_153  : i32 {
        %mul3A_166 = arith.constant 16 : i32
        %mul3A_167 = arith.muli %scan3A_165, %mul3A_166 : i32
        %add3A_168 = arith.constant 0 : i32
        %add3A_169 = arith.addi %mul3A_167, %add3A_168 : i32
        %get3A = arith.index_cast %scan3A_129 : i32 to index
        %get3A_170 = arith.index_cast %add3A_169 : i32 to index
        %get3A_171 = arith.constant 0 : index
        %get3A_172 = tpu.vector_load %arg11[%get3A, %get3A_170, %get3A_171] {strides = array<i32>} : memref<6x80x64xi32, #tpu.memory_space<vmem>>, vector<16xi32>,
        %get3A_173 = arith.index_cast %scan3A_129 : i32 to index
        %get3A_174 = arith.index_cast %add3A_169 : i32 to index
        %get3A_175 = arith.constant 0 : index
        %get3A_176 = tpu.vector_load %arg12[%get3A_173, %get3A_174, %get3A_175] {strides = array<i32>} : memref<6x80x64xi32, #tpu.memory_space<vmem>>, vector<16xi32>,
        %bitcast3A = vector.bitcast %get3A_172 : vector<16xi32> to vector<32xbf16>
        %bitcast3A_177 = vector.bitcast %get3A_176 : vector<16xi32> to vector<32xbf16>
        %mul3A_178 = arith.mulf %bitcast3A, %bitcast3A_177 : vector<32xbf16>
        %get3A_179 = arith.index_cast %scan3A_129 : i32 to index
        %get3A_180 = arith.index_cast %add3A_169 : i32 to index
        %get3A_181 = arith.constant 16 : index
        %get3A_182 = tpu.vector_load %arg11[%get3A_179, %get3A_180, %get3A_181] {strides = array<i32>} : memref<6x80x64xi32, #tpu.memory_space<vmem>>, vector<16xi32>,
        %get3A_183 = arith.index_cast %scan3A_129 : i32 to index
        %get3A_184 = arith.index_cast %add3A_169 : i32 to index
        %get3A_185 = arith.constant 16 : index
        %get3A_186 = tpu.vector_load %arg12[%get3A_183, %get3A_184, %get3A_185] {strides = array<i32>} : memref<6x80x64xi32, #tpu.memory_space<vmem>>, vector<16xi32>,
        %bitcast3A_187 = vector.bitcast %get3A_182 : vector<16xi32> to vector<32xbf16>
        %bitcast3A_188 = vector.bitcast %get3A_186 : vector<16xi32> to vector<32xbf16>
        %mul3A_189 = arith.mulf %bitcast3A_187, %bitcast3A_188 : vector<32xbf16>
        %get3A_190 = arith.index_cast %scan3A_129 : i32 to index
        %get3A_191 = arith.index_cast %add3A_169 : i32 to index
        %get3A_192 = arith.constant 32 : index
        %get3A_193 = tpu.vector_load %arg11[%get3A_190, %get3A_191, %get3A_192] {strides = array<i32>} : memref<6x80x64xi32, #tpu.memory_space<vmem>>, vector<16xi32>,
        %get3A_194 = arith.index_cast %scan3A_129 : i32 to index
        %get3A_195 = arith.index_cast %add3A_169 : i32 to index
        %get3A_196 = arith.constant 32 : index
        %get3A_197 = tpu.vector_load %arg12[%get3A_194, %get3A_195, %get3A_196] {strides = array<i32>} : memref<6x80x64xi32, #tpu.memory_space<vmem>>, vector<16xi32>,
        %bitcast3A_198 = vector.bitcast %get3A_193 : vector<16xi32> to vector<32xbf16>
        %bitcast3A_199 = vector.bitcast %get3A_197 : vector<16xi32> to vector<32xbf16>
        %mul3A_200 = arith.mulf %bitcast3A_198, %bitcast3A_199 : vector<32xbf16>
        %get3A_201 = arith.index_cast %scan3A_129 : i32 to index
        %get3A_202 = arith.index_cast %add3A_169 : i32 to index
        %get3A_203 = arith.constant 48 : index
        %get3A_204 = tpu.vector_load %arg11[%get3A_201, %get3A_202, %get3A_203] {strides = array<i32>} : memref<6x80x64xi32, #tpu.memory_space<vmem>>, vector<16xi32>,
        %get3A_205 = arith.index_cast %scan3A_129 : i32 to index
        %get3A_206 = arith.index_cast %add3A_169 : i32 to index
        %get3A_207 = arith.constant 48 : index
        %get3A_208 = tpu.vector_load %arg12[%get3A_205, %get3A_206, %get3A_207] {strides = array<i32>} : memref<6x80x64xi32, #tpu.memory_space<vmem>>, vector<16xi32>,
        %bitcast3A_209 = vector.bitcast %get3A_204 : vector<16xi32> to vector<32xbf16>
        %bitcast3A_210 = vector.bitcast %get3A_208 : vector<16xi32> to vector<32xbf16>
        %mul3A_211 = arith.mulf %bitcast3A_209, %bitcast3A_210 : vector<32xbf16>
        %add3A_212 = arith.addf %mul3A_178, %mul3A_189 : vector<32xbf16>
        %add3A_213 = arith.addf %mul3A_200, %mul3A_211 : vector<32xbf16>
        %add3A_214 = arith.addf %add3A_212, %add3A_213 : vector<32xbf16>
        %unpack3A = tpu.unpack_subelements %add3A_214, 0 {pack_format = #tpu.pack_format<interleaved>} : vector<32xbf16> -> vector<16xf32>
        %unpack3A_215 = tpu.unpack_subelements %add3A_214, 1 {pack_format = #tpu.pack_format<interleaved>} : vector<32xbf16> -> vector<16xf32>
        %add3A_216 = arith.constant 0 : i32
        %add3A_217 = vector.broadcast %add3A_216 : i32 to vector<16xi32>
        %add3A_218 = arith.addi %iota3A, %add3A_217 : vector<16xi32>
        %add3A_219 = arith.addf %unpack3A, %unpack3A_215 : vector<16xf32>
        tpu.vector_store_idx %arg10[%add3A_218], %add3A_219 : memref<272xf32, #tpu.memory_space<vmem>>[vector<16xi32>], vector<16xf32>,
        %add3A_220 = arith.constant 1 : i32
        %add3A_221 = arith.addi %mul3A_167, %add3A_220 : i32
        %get3A_222 = arith.index_cast %scan3A_129 : i32 to index
        %get3A_223 = arith.index_cast %add3A_221 : i32 to index
        %get3A_224 = arith.constant 0 : index
        %get3A_225 = tpu.vector_load %arg11[%get3A_222, %get3A_223, %get3A_224] {strides = array<i32>} : memref<6x80x64xi32, #tpu.memory_space<vmem>>, vector<16xi32>,
        %get3A_226 = arith.index_cast %scan3A_129 : i32 to index
        %get3A_227 = arith.index_cast %add3A_221 : i32 to index
        %get3A_228 = arith.constant 0 : index
        %get3A_229 = tpu.vector_load %arg12[%get3A_226, %get3A_227, %get3A_228] {strides = array<i32>} : memref<6x80x64xi32, #tpu.memory_space<vmem>>, vector<16xi32>,
        %bitcast3A_230 = vector.bitcast %get3A_225 : vector<16xi32> to vector<32xbf16>
        %bitcast3A_231 = vector.bitcast %get3A_229 : vector<16xi32> to vector<32xbf16>
        %mul3A_232 = arith.mulf %bitcast3A_230, %bitcast3A_231 : vector<32xbf16>
        %get3A_233 = arith.index_cast %scan3A_129 : i32 to index
        %get3A_234 = arith.index_cast %add3A_221 : i32 to index
        %get3A_235 = arith.constant 16 : index
        %get3A_236 = tpu.vector_load %arg11[%get3A_233, %get3A_234, %get3A_235] {strides = array<i32>} : memref<6x80x64xi32, #tpu.memory_space<vmem>>, vector<16xi32>,
        %get3A_237 = arith.index_cast %scan3A_129 : i32 to index
        %get3A_238 = arith.index_cast %add3A_221 : i32 to index
        %get3A_239 = arith.constant 16 : index
        %get3A_240 = tpu.vector_load %arg12[%get3A_237, %get3A_238, %get3A_239] {strides = array<i32>} : memref<6x80x64xi32, #tpu.memory_space<vmem>>, vector<16xi32>,
        %bitcast3A_241 = vector.bitcast %get3A_236 : vector<16xi32> to vector<32xbf16>
        %bitcast3A_242 = vector.bitcast %get3A_240 : vector<16xi32> to vector<32xbf16>
        %mul3A_243 = arith.mulf %bitcast3A_241, %bitcast3A_242 : vector<32xbf16>
        %get3A_244 = arith.index_cast %scan3A_129 : i32 to index
        %get3A_245 = arith.index_cast %add3A_221 : i32 to index
        %get3A_246 = arith.constant 32 : index
        %get3A_247 = tpu.vector_load %arg11[%get3A_244, %get3A_245, %get3A_246] {strides = array<i32>} : memref<6x80x64xi32, #tpu.memory_space<vmem>>, vector<16xi32>,
        %get3A_248 = arith.index_cast %scan3A_129 : i32 to index
        %get3A_249 = arith.index_cast %add3A_221 : i32 to index
        %get3A_250 = arith.constant 32 : index
        %get3A_251 = tpu.vector_load %arg12[%get3A_248, %get3A_249, %get3A_250] {strides = array<i32>} : memref<6x80x64xi32, #tpu.memory_space<vmem>>, vector<16xi32>,
        %bitcast3A_252 = vector.bitcast %get3A_247 : vector<16xi32> to vector<32xbf16>
        %bitcast3A_253 = vector.bitcast %get3A_251 : vector<16xi32> to vector<32xbf16>
        %mul3A_254 = arith.mulf %bitcast3A_252, %bitcast3A_253 : vector<32xbf16>
        %get3A_255 = arith.index_cast %scan3A_129 : i32 to index
        %get3A_256 = arith.index_cast %add3A_221 : i32 to index
        %get3A_257 = arith.constant 48 : index
        %get3A_258 = tpu.vector_load %arg11[%get3A_255, %get3A_256, %get3A_257] {strides = array<i32>} : memref<6x80x64xi32, #tpu.memory_space<vmem>>, vector<16xi32>,
        %get3A_259 = arith.index_cast %scan3A_129 : i32 to index
        %get3A_260 = arith.index_cast %add3A_221 : i32 to index
        %get3A_261 = arith.constant 48 : index
        %get3A_262 = tpu.vector_load %arg12[%get3A_259, %get3A_260, %get3A_261] {strides = array<i32>} : memref<6x80x64xi32, #tpu.memory_space<vmem>>, vector<16xi32>,
        %bitcast3A_263 = vector.bitcast %get3A_258 : vector<16xi32> to vector<32xbf16>
        %bitcast3A_264 = vector.bitcast %get3A_262 : vector<16xi32> to vector<32xbf16>
        %mul3A_265 = arith.mulf %bitcast3A_263, %bitcast3A_264 : vector<32xbf16>
        %add3A_266 = arith.addf %mul3A_232, %mul3A_243 : vector<32xbf16>
        %add3A_267 = arith.addf %mul3A_254, %mul3A_265 : vector<32xbf16>
        %add3A_268 = arith.addf %add3A_266, %add3A_267 : vector<32xbf16>
        %unpack3A_269 = tpu.unpack_subelements %add3A_268, 0 {pack_format = #tpu.pack_format<interleaved>} : vector<32xbf16> -> vector<16xf32>
        %unpack3A_270 = tpu.unpack_subelements %add3A_268, 1 {pack_format = #tpu.pack_format<interleaved>} : vector<32xbf16> -> vector<16xf32>
        %add3A_271 = arith.constant 17 : i32
        %add3A_272 = vector.broadcast %add3A_271 : i32 to vector<16xi32>
        %add3A_273 = arith.addi %iota3A, %add3A_272 : vector<16xi32>
        %add3A_274 = arith.addf %unpack3A_269, %unpack3A_270 : vector<16xf32>
        tpu.vector_store_idx %arg10[%add3A_273], %add3A_274 : memref<272xf32, #tpu.memory_space<vmem>>[vector<16xi32>], vector<16xf32>,
        %add3A_275 = arith.constant 2 : i32
        %add3A_276 = arith.addi %mul3A_167, %add3A_275 : i32
        %get3A_277 = arith.index_cast %scan3A_129 : i32 to index
        %get3A_278 = arith.index_cast %add3A_276 : i32 to index
        %get3A_279 = arith.constant 0 : index
        %get3A_280 = tpu.vector_load %arg11[%get3A_277, %get3A_278, %get3A_279] {strides = array<i32>} : memref<6x80x64xi32, #tpu.memory_space<vmem>>, vector<16xi32>,
        %get3A_281 = arith.index_cast %scan3A_129 : i32 to index
        %get3A_282 = arith.index_cast %add3A_276 : i32 to index
        %get3A_283 = arith.constant 0 : index
        %get3A_284 = tpu.vector_load %arg12[%get3A_281, %get3A_282, %get3A_283] {strides = array<i32>} : memref<6x80x64xi32, #tpu.memory_space<vmem>>, vector<16xi32>,
        %bitcast3A_285 = vector.bitcast %get3A_280 : vector<16xi32> to vector<32xbf16>
        %bitcast3A_286 = vector.bitcast %get3A_284 : vector<16xi32> to vector<32xbf16>
        %mul3A_287 = arith.mulf %bitcast3A_285, %bitcast3A_286 : vector<32xbf16>
        %get3A_288 = arith.index_cast %scan3A_129 : i32 to index
        %get3A_289 = arith.index_cast %add3A_276 : i32 to index
        %get3A_290 = arith.constant 16 : index
        %get3A_291 = tpu.vector_load %arg11[%get3A_288, %get3A_289, %get3A_290] {strides = array<i32>} : memref<6x80x64xi32, #tpu.memory_space<vmem>>, vector<16xi32>,
        %get3A_292 = arith.index_cast %scan3A_129 : i32 to index
        %get3A_293 = arith.index_cast %add3A_276 : i32 to index
        %get3A_294 = arith.constant 16 : index
        %get3A_295 = tpu.vector_load %arg12[%get3A_292, %get3A_293, %get3A_294] {strides = array<i32>} : memref<6x80x64xi32, #tpu.memory_space<vmem>>, vector<16xi32>,
        %bitcast3A_296 = vector.bitcast %get3A_291 : vector<16xi32> to vector<32xbf16>
        %bitcast3A_297 = vector.bitcast %get3A_295 : vector<16xi32> to vector<32xbf16>
        %mul3A_298 = arith.mulf %bitcast3A_296, %bitcast3A_297 : vector<32xbf16>
        %get3A_299 = arith.index_cast %scan3A_129 : i32 to index
        %get3A_300 = arith.index_cast %add3A_276 : i32 to index
        %get3A_301 = arith.constant 32 : index
        %get3A_302 = tpu.vector_load %arg11[%get3A_299, %get3A_300, %get3A_301] {strides = array<i32>} : memref<6x80x64xi32, #tpu.memory_space<vmem>>, vector<16xi32>,
        %get3A_303 = arith.index_cast %scan3A_129 : i32 to index
        %get3A_304 = arith.index_cast %add3A_276 : i32 to index
        %get3A_305 = arith.constant 32 : index
        %get3A_306 = tpu.vector_load %arg12[%get3A_303, %get3A_304, %get3A_305] {strides = array<i32>} : memref<6x80x64xi32, #tpu.memory_space<vmem>>, vector<16xi32>,
        %bitcast3A_307 = vector.bitcast %get3A_302 : vector<16xi32> to vector<32xbf16>
        %bitcast3A_308 = vector.bitcast %get3A_306 : vector<16xi32> to vector<32xbf16>
        %mul3A_309 = arith.mulf %bitcast3A_307, %bitcast3A_308 : vector<32xbf16>
        %get3A_310 = arith.index_cast %scan3A_129 : i32 to index
        %get3A_311 = arith.index_cast %add3A_276 : i32 to index
        %get3A_312 = arith.constant 48 : index
        %get3A_313 = tpu.vector_load %arg11[%get3A_310, %get3A_311, %get3A_312] {strides = array<i32>} : memref<6x80x64xi32, #tpu.memory_space<vmem>>, vector<16xi32>,
        %get3A_314 = arith.index_cast %scan3A_129 : i32 to index
        %get3A_315 = arith.index_cast %add3A_276 : i32 to index
        %get3A_316 = arith.constant 48 : index
        %get3A_317 = tpu.vector_load %arg12[%get3A_314, %get3A_315, %get3A_316] {strides = array<i32>} : memref<6x80x64xi32, #tpu.memory_space<vmem>>, vector<16xi32>,
        %bitcast3A_318 = vector.bitcast %get3A_313 : vector<16xi32> to vector<32xbf16>
        %bitcast3A_319 = vector.bitcast %get3A_317 : vector<16xi32> to vector<32xbf16>
        %mul3A_320 = arith.mulf %bitcast3A_318, %bitcast3A_319 : vector<32xbf16>
        %add3A_321 = arith.addf %mul3A_287, %mul3A_298 : vector<32xbf16>
        %add3A_322 = arith.addf %mul3A_309, %mul3A_320 : vector<32xbf16>
        %add3A_323 = arith.addf %add3A_321, %add3A_322 : vector<32xbf16>
        %unpack3A_324 = tpu.unpack_subelements %add3A_323, 0 {pack_format = #tpu.pack_format<interleaved>} : vector<32xbf16> -> vector<16xf32>
        %unpack3A_325 = tpu.unpack_subelements %add3A_323, 1 {pack_format = #tpu.pack_format<interleaved>} : vector<32xbf16> -> vector<16xf32>
        %add3A_326 = arith.constant 34 : i32
        %add3A_327 = vector.broadcast %add3A_326 : i32 to vector<16xi32>
        %add3A_328 = arith.addi %iota3A, %add3A_327 : vector<16xi32>
        %add3A_329 = arith.addf %unpack3A_324, %unpack3A_325 : vector<16xf32>
        tpu.vector_store_idx %arg10[%add3A_328], %add3A_329 : memref<272xf32, #tpu.memory_space<vmem>>[vector<16xi32>], vector<16xf32>,
        %add3A_330 = arith.constant 3 : i32
        %add3A_331 = arith.addi %mul3A_167, %add3A_330 : i32
        %get3A_332 = arith.index_cast %scan3A_129 : i32 to index
        %get3A_333 = arith.index_cast %add3A_331 : i32 to index
        %get3A_334 = arith.constant 0 : index
        %get3A_335 = tpu.vector_load %arg11[%get3A_332, %get3A_333, %get3A_334] {strides = array<i32>} : memref<6x80x64xi32, #tpu.memory_space<vmem>>, vector<16xi32>,
        %get3A_336 = arith.index_cast %scan3A_129 : i32 to index
        %get3A_337 = arith.index_cast %add3A_331 : i32 to index
        %get3A_338 = arith.constant 0 : index
        %get3A_339 = tpu.vector_load %arg12[%get3A_336, %get3A_337, %get3A_338] {strides = array<i32>} : memref<6x80x64xi32, #tpu.memory_space<vmem>>, vector<16xi32>,
        %bitcast3A_340 = vector.bitcast %get3A_335 : vector<16xi32> to vector<32xbf16>
        %bitcast3A_341 = vector.bitcast %get3A_339 : vector<16xi32> to vector<32xbf16>
        %mul3A_342 = arith.mulf %bitcast3A_340, %bitcast3A_341 : vector<32xbf16>
        %get3A_343 = arith.index_cast %scan3A_129 : i32 to index
        %get3A_344 = arith.index_cast %add3A_331 : i32 to index
        %get3A_345 = arith.constant 16 : index
        %get3A_346 = tpu.vector_load %arg11[%get3A_343, %get3A_344, %get3A_345] {strides = array<i32>} : memref<6x80x64xi32, #tpu.memory_space<vmem>>, vector<16xi32>,
        %get3A_347 = arith.index_cast %scan3A_129 : i32 to index
        %get3A_348 = arith.index_cast %add3A_331 : i32 to index
        %get3A_349 = arith.constant 16 : index
        %get3A_350 = tpu.vector_load %arg12[%get3A_347, %get3A_348, %get3A_349] {strides = array<i32>} : memref<6x80x64xi32, #tpu.memory_space<vmem>>, vector<16xi32>,
        %bitcast3A_351 = vector.bitcast %get3A_346 : vector<16xi32> to vector<32xbf16>
        %bitcast3A_352 = vector.bitcast %get3A_350 : vector<16xi32> to vector<32xbf16>
        %mul3A_353 = arith.mulf %bitcast3A_351, %bitcast3A_352 : vector<32xbf16>
        %get3A_354 = arith.index_cast %scan3A_129 : i32 to index
        %get3A_355 = arith.index_cast %add3A_331 : i32 to index
        %get3A_356 = arith.constant 32 : index
        %get3A_357 = tpu.vector_load %arg11[%get3A_354, %get3A_355, %get3A_356] {strides = array<i32>} : memref<6x80x64xi32, #tpu.memory_space<vmem>>, vector<16xi32>,
        %get3A_358 = arith.index_cast %scan3A_129 : i32 to index
        %get3A_359 = arith.index_cast %add3A_331 : i32 to index
        %get3A_360 = arith.constant 32 : index
        %get3A_361 = tpu.vector_load %arg12[%get3A_358, %get3A_359, %get3A_360] {strides = array<i32>} : memref<6x80x64xi32, #tpu.memory_space<vmem>>, vector<16xi32>,
        %bitcast3A_362 = vector.bitcast %get3A_357 : vector<16xi32> to vector<32xbf16>
        %bitcast3A_363 = vector.bitcast %get3A_361 : vector<16xi32> to vector<32xbf16>
        %mul3A_364 = arith.mulf %bitcast3A_362, %bitcast3A_363 : vector<32xbf16>
        %get3A_365 = arith.index_cast %scan3A_129 : i32 to index
        %get3A_366 = arith.index_cast %add3A_331 : i32 to index
        %get3A_367 = arith.constant 48 : index
        %get3A_368 = tpu.vector_load %arg11[%get3A_365, %get3A_366, %get3A_367] {strides = array<i32>} : memref<6x80x64xi32, #tpu.memory_space<vmem>>, vector<16xi32>,
        %get3A_369 = arith.index_cast %scan3A_129 : i32 to index
        %get3A_370 = arith.index_cast %add3A_331 : i32 to index
        %get3A_371 = arith.constant 48 : index
        %get3A_372 = tpu.vector_load %arg12[%get3A_369, %get3A_370, %get3A_371] {strides = array<i32>} : memref<6x80x64xi32, #tpu.memory_space<vmem>>, vector<16xi32>,
        %bitcast3A_373 = vector.bitcast %get3A_368 : vector<16xi32> to vector<32xbf16>
        %bitcast3A_374 = vector.bitcast %get3A_372 : vector<16xi32> to vector<32xbf16>
        %mul3A_375 = arith.mulf %bitcast3A_373, %bitcast3A_374 : vector<32xbf16>
        %add3A_376 = arith.addf %mul3A_342, %mul3A_353 : vector<32xbf16>
        %add3A_377 = arith.addf %mul3A_364, %mul3A_375 : vector<32xbf16>
        %add3A_378 = arith.addf %add3A_376, %add3A_377 : vector<32xbf16>
        %unpack3A_379 = tpu.unpack_subelements %add3A_378, 0 {pack_format = #tpu.pack_format<interleaved>} : vector<32xbf16> -> vector<16xf32>
        %unpack3A_380 = tpu.unpack_subelements %add3A_378, 1 {pack_format = #tpu.pack_format<interleaved>} : vector<32xbf16> -> vector<16xf32>
        %add3A_381 = arith.constant 51 : i32
        %add3A_382 = vector.broadcast %add3A_381 : i32 to vector<16xi32>
        %add3A_383 = arith.addi %iota3A, %add3A_382 : vector<16xi32>
        %add3A_384 = arith.addf %unpack3A_379, %unpack3A_380 : vector<16xf32>
        tpu.vector_store_idx %arg10[%add3A_383], %add3A_384 : memref<272xf32, #tpu.memory_space<vmem>>[vector<16xi32>], vector<16xf32>,
        %add3A_385 = arith.constant 4 : i32
        %add3A_386 = arith.addi %mul3A_167, %add3A_385 : i32
        %get3A_387 = arith.index_cast %scan3A_129 : i32 to index
        %get3A_388 = arith.index_cast %add3A_386 : i32 to index
        %get3A_389 = arith.constant 0 : index
        %get3A_390 = tpu.vector_load %arg11[%get3A_387, %get3A_388, %get3A_389] {strides = array<i32>} : memref<6x80x64xi32, #tpu.memory_space<vmem>>, vector<16xi32>,
        %get3A_391 = arith.index_cast %scan3A_129 : i32 to index
        %get3A_392 = arith.index_cast %add3A_386 : i32 to index
        %get3A_393 = arith.constant 0 : index
        %get3A_394 = tpu.vector_load %arg12[%get3A_391, %get3A_392, %get3A_393] {strides = array<i32>} : memref<6x80x64xi32, #tpu.memory_space<vmem>>, vector<16xi32>,
        %bitcast3A_395 = vector.bitcast %get3A_390 : vector<16xi32> to vector<32xbf16>
        %bitcast3A_396 = vector.bitcast %get3A_394 : vector<16xi32> to vector<32xbf16>
        %mul3A_397 = arith.mulf %bitcast3A_395, %bitcast3A_396 : vector<32xbf16>
        %get3A_398 = arith.index_cast %scan3A_129 : i32 to index
        %get3A_399 = arith.index_cast %add3A_386 : i32 to index
        %get3A_400 = arith.constant 16 : index
        %get3A_401 = tpu.vector_load %arg11[%get3A_398, %get3A_399, %get3A_400] {strides = array<i32>} : memref<6x80x64xi32, #tpu.memory_space<vmem>>, vector<16xi32>,
        %get3A_402 = arith.index_cast %scan3A_129 : i32 to index
        %get3A_403 = arith.index_cast %add3A_386 : i32 to index
        %get3A_404 = arith.constant 16 : index
        %get3A_405 = tpu.vector_load %arg12[%get3A_402, %get3A_403, %get3A_404] {strides = array<i32>} : memref<6x80x64xi32, #tpu.memory_space<vmem>>, vector<16xi32>,
        %bitcast3A_406 = vector.bitcast %get3A_401 : vector<16xi32> to vector<32xbf16>
        %bitcast3A_407 = vector.bitcast %get3A_405 : vector<16xi32> to vector<32xbf16>
        %mul3A_408 = arith.mulf %bitcast3A_406, %bitcast3A_407 : vector<32xbf16>
        %get3A_409 = arith.index_cast %scan3A_129 : i32 to index
        %get3A_410 = arith.index_cast %add3A_386 : i32 to index
        %get3A_411 = arith.constant 32 : index
        %get3A_412 = tpu.vector_load %arg11[%get3A_409, %get3A_410, %get3A_411] {strides = array<i32>} : memref<6x80x64xi32, #tpu.memory_space<vmem>>, vector<16xi32>,
        %get3A_413 = arith.index_cast %scan3A_129 : i32 to index
        %get3A_414 = arith.index_cast %add3A_386 : i32 to index
        %get3A_415 = arith.constant 32 : index
        %get3A_416 = tpu.vector_load %arg12[%get3A_413, %get3A_414, %get3A_415] {strides = array<i32>} : memref<6x80x64xi32, #tpu.memory_space<vmem>>, vector<16xi32>,
        %bitcast3A_417 = vector.bitcast %get3A_412 : vector<16xi32> to vector<32xbf16>
        %bitcast3A_418 = vector.bitcast %get3A_416 : vector<16xi32> to vector<32xbf16>
        %mul3A_419 = arith.mulf %bitcast3A_417, %bitcast3A_418 : vector<32xbf16>
        %get3A_420 = arith.index_cast %scan3A_129 : i32 to index
        %get3A_421 = arith.index_cast %add3A_386 : i32 to index
        %get3A_422 = arith.constant 48 : index
        %get3A_423 = tpu.vector_load %arg11[%get3A_420, %get3A_421, %get3A_422] {strides = array<i32>} : memref<6x80x64xi32, #tpu.memory_space<vmem>>, vector<16xi32>,
        %get3A_424 = arith.index_cast %scan3A_129 : i32 to index
        %get3A_425 = arith.index_cast %add3A_386 : i32 to index
        %get3A_426 = arith.constant 48 : index
        %get3A_427 = tpu.vector_load %arg12[%get3A_424, %get3A_425, %get3A_426] {strides = array<i32>} : memref<6x80x64xi32, #tpu.memory_space<vmem>>, vector<16xi32>,
        %bitcast3A_428 = vector.bitcast %get3A_423 : vector<16xi32> to vector<32xbf16>
        %bitcast3A_429 = vector.bitcast %get3A_427 : vector<16xi32> to vector<32xbf16>
        %mul3A_430 = arith.mulf %bitcast3A_428, %bitcast3A_429 : vector<32xbf16>
        %add3A_431 = arith.addf %mul3A_397, %mul3A_408 : vector<32xbf16>
        %add3A_432 = arith.addf %mul3A_419, %mul3A_430 : vector<32xbf16>
        %add3A_433 = arith.addf %add3A_431, %add3A_432 : vector<32xbf16>
        %unpack3A_434 = tpu.unpack_subelements %add3A_433, 0 {pack_format = #tpu.pack_format<interleaved>} : vector<32xbf16> -> vector<16xf32>
        %unpack3A_435 = tpu.unpack_subelements %add3A_433, 1 {pack_format = #tpu.pack_format<interleaved>} : vector<32xbf16> -> vector<16xf32>
        %add3A_436 = arith.constant 68 : i32
        %add3A_437 = vector.broadcast %add3A_436 : i32 to vector<16xi32>
        %add3A_438 = arith.addi %iota3A, %add3A_437 : vector<16xi32>
        %add3A_439 = arith.addf %unpack3A_434, %unpack3A_435 : vector<16xf32>
        tpu.vector_store_idx %arg10[%add3A_438], %add3A_439 : memref<272xf32, #tpu.memory_space<vmem>>[vector<16xi32>], vector<16xf32>,
        %add3A_440 = arith.constant 5 : i32
        %add3A_441 = arith.addi %mul3A_167, %add3A_440 : i32
        %get3A_442 = arith.index_cast %scan3A_129 : i32 to index
        %get3A_443 = arith.index_cast %add3A_441 : i32 to index
        %get3A_444 = arith.constant 0 : index
        %get3A_445 = tpu.vector_load %arg11[%get3A_442, %get3A_443, %get3A_444] {strides = array<i32>} : memref<6x80x64xi32, #tpu.memory_space<vmem>>, vector<16xi32>,
        %get3A_446 = arith.index_cast %scan3A_129 : i32 to index
        %get3A_447 = arith.index_cast %add3A_441 : i32 to index
        %get3A_448 = arith.constant 0 : index
        %get3A_449 = tpu.vector_load %arg12[%get3A_446, %get3A_447, %get3A_448] {strides = array<i32>} : memref<6x80x64xi32, #tpu.memory_space<vmem>>, vector<16xi32>,
        %bitcast3A_450 = vector.bitcast %get3A_445 : vector<16xi32> to vector<32xbf16>
        %bitcast3A_451 = vector.bitcast %get3A_449 : vector<16xi32> to vector<32xbf16>
        %mul3A_452 = arith.mulf %bitcast3A_450, %bitcast3A_451 : vector<32xbf16>
        %get3A_453 = arith.index_cast %scan3A_129 : i32 to index
        %get3A_454 = arith.index_cast %add3A_441 : i32 to index
        %get3A_455 = arith.constant 16 : index
        %get3A_456 = tpu.vector_load %arg11[%get3A_453, %get3A_454, %get3A_455] {strides = array<i32>} : memref<6x80x64xi32, #tpu.memory_space<vmem>>, vector<16xi32>,
        %get3A_457 = arith.index_cast %scan3A_129 : i32 to index
        %get3A_458 = arith.index_cast %add3A_441 : i32 to index
        %get3A_459 = arith.constant 16 : index
        %get3A_460 = tpu.vector_load %arg12[%get3A_457, %get3A_458, %get3A_459] {strides = array<i32>} : memref<6x80x64xi32, #tpu.memory_space<vmem>>, vector<16xi32>,
        %bitcast3A_461 = vector.bitcast %get3A_456 : vector<16xi32> to vector<32xbf16>
        %bitcast3A_462 = vector.bitcast %get3A_460 : vector<16xi32> to vector<32xbf16>
        %mul3A_463 = arith.mulf %bitcast3A_461, %bitcast3A_462 : vector<32xbf16>
        %get3A_464 = arith.index_cast %scan3A_129 : i32 to index
        %get3A_465 = arith.index_cast %add3A_441 : i32 to index
        %get3A_466 = arith.constant 32 : index
        %get3A_467 = tpu.vector_load %arg11[%get3A_464, %get3A_465, %get3A_466] {strides = array<i32>} : memref<6x80x64xi32, #tpu.memory_space<vmem>>, vector<16xi32>,
        %get3A_468 = arith.index_cast %scan3A_129 : i32 to index
        %get3A_469 = arith.index_cast %add3A_441 : i32 to index
        %get3A_470 = arith.constant 32 : index
        %get3A_471 = tpu.vector_load %arg12[%get3A_468, %get3A_469, %get3A_470] {strides = array<i32>} : memref<6x80x64xi32, #tpu.memory_space<vmem>>, vector<16xi32>,
        %bitcast3A_472 = vector.bitcast %get3A_467 : vector<16xi32> to vector<32xbf16>
        %bitcast3A_473 = vector.bitcast %get3A_471 : vector<16xi32> to vector<32xbf16>
        %mul3A_474 = arith.mulf %bitcast3A_472, %bitcast3A_473 : vector<32xbf16>
        %get3A_475 = arith.index_cast %scan3A_129 : i32 to index
        %get3A_476 = arith.index_cast %add3A_441 : i32 to index
        %get3A_477 = arith.constant 48 : index
        %get3A_478 = tpu.vector_load %arg11[%get3A_475, %get3A_476, %get3A_477] {strides = array<i32>} : memref<6x80x64xi32, #tpu.memory_space<vmem>>, vector<16xi32>,
        %get3A_479 = arith.index_cast %scan3A_129 : i32 to index
        %get3A_480 = arith.index_cast %add3A_441 : i32 to index
        %get3A_481 = arith.constant 48 : index
        %get3A_482 = tpu.vector_load %arg12[%get3A_479, %get3A_480, %get3A_481] {strides = array<i32>} : memref<6x80x64xi32, #tpu.memory_space<vmem>>, vector<16xi32>,
        %bitcast3A_483 = vector.bitcast %get3A_478 : vector<16xi32> to vector<32xbf16>
        %bitcast3A_484 = vector.bitcast %get3A_482 : vector<16xi32> to vector<32xbf16>
        %mul3A_485 = arith.mulf %bitcast3A_483, %bitcast3A_484 : vector<32xbf16>
        %add3A_486 = arith.addf %mul3A_452, %mul3A_463 : vector<32xbf16>
        %add3A_487 = arith.addf %mul3A_474, %mul3A_485 : vector<32xbf16>
        %add3A_488 = arith.addf %add3A_486, %add3A_487 : vector<32xbf16>
        %unpack3A_489 = tpu.unpack_subelements %add3A_488, 0 {pack_format = #tpu.pack_format<interleaved>} : vector<32xbf16> -> vector<16xf32>
        %unpack3A_490 = tpu.unpack_subelements %add3A_488, 1 {pack_format = #tpu.pack_format<interleaved>} : vector<32xbf16> -> vector<16xf32>
        %add3A_491 = arith.constant 85 : i32
        %add3A_492 = vector.broadcast %add3A_491 : i32 to vector<16xi32>
        %add3A_493 = arith.addi %iota3A, %add3A_492 : vector<16xi32>
        %add3A_494 = arith.addf %unpack3A_489, %unpack3A_490 : vector<16xf32>
        tpu.vector_store_idx %arg10[%add3A_493], %add3A_494 : memref<272xf32, #tpu.memory_space<vmem>>[vector<16xi32>], vector<16xf32>,
        %add3A_495 = arith.constant 6 : i32
        %add3A_496 = arith.addi %mul3A_167, %add3A_495 : i32
        %get3A_497 = arith.index_cast %scan3A_129 : i32 to index
        %get3A_498 = arith.index_cast %add3A_496 : i32 to index
        %get3A_499 = arith.constant 0 : index
        %get3A_500 = tpu.vector_load %arg11[%get3A_497, %get3A_498, %get3A_499] {strides = array<i32>} : memref<6x80x64xi32, #tpu.memory_space<vmem>>, vector<16xi32>,
        %get3A_501 = arith.index_cast %scan3A_129 : i32 to index
        %get3A_502 = arith.index_cast %add3A_496 : i32 to index
        %get3A_503 = arith.constant 0 : index
        %get3A_504 = tpu.vector_load %arg12[%get3A_501, %get3A_502, %get3A_503] {strides = array<i32>} : memref<6x80x64xi32, #tpu.memory_space<vmem>>, vector<16xi32>,
        %bitcast3A_505 = vector.bitcast %get3A_500 : vector<16xi32> to vector<32xbf16>
        %bitcast3A_506 = vector.bitcast %get3A_504 : vector<16xi32> to vector<32xbf16>
        %mul3A_507 = arith.mulf %bitcast3A_505, %bitcast3A_506 : vector<32xbf16>
        %get3A_508 = arith.index_cast %scan3A_129 : i32 to index
        %get3A_509 = arith.index_cast %add3A_496 : i32 to index
        %get3A_510 = arith.constant 16 : index
        %get3A_511 = tpu.vector_load %arg11[%get3A_508, %get3A_509, %get3A_510] {strides = array<i32>} : memref<6x80x64xi32, #tpu.memory_space<vmem>>, vector<16xi32>,
        %get3A_512 = arith.index_cast %scan3A_129 : i32 to index
        %get3A_513 = arith.index_cast %add3A_496 : i32 to index
        %get3A_514 = arith.constant 16 : index
        %get3A_515 = tpu.vector_load %arg12[%get3A_512, %get3A_513, %get3A_514] {strides = array<i32>} : memref<6x80x64xi32, #tpu.memory_space<vmem>>, vector<16xi32>,
        %bitcast3A_516 = vector.bitcast %get3A_511 : vector<16xi32> to vector<32xbf16>
        %bitcast3A_517 = vector.bitcast %get3A_515 : vector<16xi32> to vector<32xbf16>
        %mul3A_518 = arith.mulf %bitcast3A_516, %bitcast3A_517 : vector<32xbf16>
        %get3A_519 = arith.index_cast %scan3A_129 : i32 to index
        %get3A_520 = arith.index_cast %add3A_496 : i32 to index
        %get3A_521 = arith.constant 32 : index
        %get3A_522 = tpu.vector_load %arg11[%get3A_519, %get3A_520, %get3A_521] {strides = array<i32>} : memref<6x80x64xi32, #tpu.memory_space<vmem>>, vector<16xi32>,
        %get3A_523 = arith.index_cast %scan3A_129 : i32 to index
        %get3A_524 = arith.index_cast %add3A_496 : i32 to index
        %get3A_525 = arith.constant 32 : index
        %get3A_526 = tpu.vector_load %arg12[%get3A_523, %get3A_524, %get3A_525] {strides = array<i32>} : memref<6x80x64xi32, #tpu.memory_space<vmem>>, vector<16xi32>,
        %bitcast3A_527 = vector.bitcast %get3A_522 : vector<16xi32> to vector<32xbf16>
        %bitcast3A_528 = vector.bitcast %get3A_526 : vector<16xi32> to vector<32xbf16>
        %mul3A_529 = arith.mulf %bitcast3A_527, %bitcast3A_528 : vector<32xbf16>
        %get3A_530 = arith.index_cast %scan3A_129 : i32 to index
        %get3A_531 = arith.index_cast %add3A_496 : i32 to index
        %get3A_532 = arith.constant 48 : index
        %get3A_533 = tpu.vector_load %arg11[%get3A_530, %get3A_531, %get3A_532] {strides = array<i32>} : memref<6x80x64xi32, #tpu.memory_space<vmem>>, vector<16xi32>,
        %get3A_534 = arith.index_cast %scan3A_129 : i32 to index
        %get3A_535 = arith.index_cast %add3A_496 : i32 to index
        %get3A_536 = arith.constant 48 : index
        %get3A_537 = tpu.vector_load %arg12[%get3A_534, %get3A_535, %get3A_536] {strides = array<i32>} : memref<6x80x64xi32, #tpu.memory_space<vmem>>, vector<16xi32>,
        %bitcast3A_538 = vector.bitcast %get3A_533 : vector<16xi32> to vector<32xbf16>
        %bitcast3A_539 = vector.bitcast %get3A_537 : vector<16xi32> to vector<32xbf16>
        %mul3A_540 = arith.mulf %bitcast3A_538, %bitcast3A_539 : vector<32xbf16>
        %add3A_541 = arith.addf %mul3A_507, %mul3A_518 : vector<32xbf16>
        %add3A_542 = arith.addf %mul3A_529, %mul3A_540 : vector<32xbf16>
        %add3A_543 = arith.addf %add3A_541, %add3A_542 : vector<32xbf16>
        %unpack3A_544 = tpu.unpack_subelements %add3A_543, 0 {pack_format = #tpu.pack_format<interleaved>} : vector<32xbf16> -> vector<16xf32>
        %unpack3A_545 = tpu.unpack_subelements %add3A_543, 1 {pack_format = #tpu.pack_format<interleaved>} : vector<32xbf16> -> vector<16xf32>
        %add3A_546 = arith.constant 102 : i32
        %add3A_547 = vector.broadcast %add3A_546 : i32 to vector<16xi32>
        %add3A_548 = arith.addi %iota3A, %add3A_547 : vector<16xi32>
        %add3A_549 = arith.addf %unpack3A_544, %unpack3A_545 : vector<16xf32>
        tpu.vector_store_idx %arg10[%add3A_548], %add3A_549 : memref<272xf32, #tpu.memory_space<vmem>>[vector<16xi32>], vector<16xf32>,
        %add3A_550 = arith.constant 7 : i32
        %add3A_551 = arith.addi %mul3A_167, %add3A_550 : i32
        %get3A_552 = arith.index_cast %scan3A_129 : i32 to index
        %get3A_553 = arith.index_cast %add3A_551 : i32 to index
        %get3A_554 = arith.constant 0 : index
        %get3A_555 = tpu.vector_load %arg11[%get3A_552, %get3A_553, %get3A_554] {strides = array<i32>} : memref<6x80x64xi32, #tpu.memory_space<vmem>>, vector<16xi32>,
        %get3A_556 = arith.index_cast %scan3A_129 : i32 to index
        %get3A_557 = arith.index_cast %add3A_551 : i32 to index
        %get3A_558 = arith.constant 0 : index
        %get3A_559 = tpu.vector_load %arg12[%get3A_556, %get3A_557, %get3A_558] {strides = array<i32>} : memref<6x80x64xi32, #tpu.memory_space<vmem>>, vector<16xi32>,
        %bitcast3A_560 = vector.bitcast %get3A_555 : vector<16xi32> to vector<32xbf16>
        %bitcast3A_561 = vector.bitcast %get3A_559 : vector<16xi32> to vector<32xbf16>
        %mul3A_562 = arith.mulf %bitcast3A_560, %bitcast3A_561 : vector<32xbf16>
        %get3A_563 = arith.index_cast %scan3A_129 : i32 to index
        %get3A_564 = arith.index_cast %add3A_551 : i32 to index
        %get3A_565 = arith.constant 16 : index
        %get3A_566 = tpu.vector_load %arg11[%get3A_563, %get3A_564, %get3A_565] {strides = array<i32>} : memref<6x80x64xi32, #tpu.memory_space<vmem>>, vector<16xi32>,
        %get3A_567 = arith.index_cast %scan3A_129 : i32 to index
        %get3A_568 = arith.index_cast %add3A_551 : i32 to index
        %get3A_569 = arith.constant 16 : index
        %get3A_570 = tpu.vector_load %arg12[%get3A_567, %get3A_568, %get3A_569] {strides = array<i32>} : memref<6x80x64xi32, #tpu.memory_space<vmem>>, vector<16xi32>,
        %bitcast3A_571 = vector.bitcast %get3A_566 : vector<16xi32> to vector<32xbf16>
        %bitcast3A_572 = vector.bitcast %get3A_570 : vector<16xi32> to vector<32xbf16>
        %mul3A_573 = arith.mulf %bitcast3A_571, %bitcast3A_572 : vector<32xbf16>
        %get3A_574 = arith.index_cast %scan3A_129 : i32 to index
        %get3A_575 = arith.index_cast %add3A_551 : i32 to index
        %get3A_576 = arith.constant 32 : index
        %get3A_577 = tpu.vector_load %arg11[%get3A_574, %get3A_575, %get3A_576] {strides = array<i32>} : memref<6x80x64xi32, #tpu.memory_space<vmem>>, vector<16xi32>,
        %get3A_578 = arith.index_cast %scan3A_129 : i32 to index
        %get3A_579 = arith.index_cast %add3A_551 : i32 to index
        %get3A_580 = arith.constant 32 : index
        %get3A_581 = tpu.vector_load %arg12[%get3A_578, %get3A_579, %get3A_580] {strides = array<i32>} : memref<6x80x64xi32, #tpu.memory_space<vmem>>, vector<16xi32>,
        %bitcast3A_582 = vector.bitcast %get3A_577 : vector<16xi32> to vector<32xbf16>
        %bitcast3A_583 = vector.bitcast %get3A_581 : vector<16xi32> to vector<32xbf16>
        %mul3A_584 = arith.mulf %bitcast3A_582, %bitcast3A_583 : vector<32xbf16>
        %get3A_585 = arith.index_cast %scan3A_129 : i32 to index
        %get3A_586 = arith.index_cast %add3A_551 : i32 to index
        %get3A_587 = arith.constant 48 : index
        %get3A_588 = tpu.vector_load %arg11[%get3A_585, %get3A_586, %get3A_587] {strides = array<i32>} : memref<6x80x64xi32, #tpu.memory_space<vmem>>, vector<16xi32>,
        %get3A_589 = arith.index_cast %scan3A_129 : i32 to index
        %get3A_590 = arith.index_cast %add3A_551 : i32 to index
        %get3A_591 = arith.constant 48 : index
        %get3A_592 = tpu.vector_load %arg12[%get3A_589, %get3A_590, %get3A_591] {strides = array<i32>} : memref<6x80x64xi32, #tpu.memory_space<vmem>>, vector<16xi32>,
        %bitcast3A_593 = vector.bitcast %get3A_588 : vector<16xi32> to vector<32xbf16>
        %bitcast3A_594 = vector.bitcast %get3A_592 : vector<16xi32> to vector<32xbf16>
        %mul3A_595 = arith.mulf %bitcast3A_593, %bitcast3A_594 : vector<32xbf16>
        %add3A_596 = arith.addf %mul3A_562, %mul3A_573 : vector<32xbf16>
        %add3A_597 = arith.addf %mul3A_584, %mul3A_595 : vector<32xbf16>
        %add3A_598 = arith.addf %add3A_596, %add3A_597 : vector<32xbf16>
        %unpack3A_599 = tpu.unpack_subelements %add3A_598, 0 {pack_format = #tpu.pack_format<interleaved>} : vector<32xbf16> -> vector<16xf32>
        %unpack3A_600 = tpu.unpack_subelements %add3A_598, 1 {pack_format = #tpu.pack_format<interleaved>} : vector<32xbf16> -> vector<16xf32>
        %add3A_601 = arith.constant 119 : i32
        %add3A_602 = vector.broadcast %add3A_601 : i32 to vector<16xi32>
        %add3A_603 = arith.addi %iota3A, %add3A_602 : vector<16xi32>
        %add3A_604 = arith.addf %unpack3A_599, %unpack3A_600 : vector<16xf32>
        tpu.vector_store_idx %arg10[%add3A_603], %add3A_604 : memref<272xf32, #tpu.memory_space<vmem>>[vector<16xi32>], vector<16xf32>,
        %add3A_605 = arith.constant 8 : i32
        %add3A_606 = arith.addi %mul3A_167, %add3A_605 : i32
        %get3A_607 = arith.index_cast %scan3A_129 : i32 to index
        %get3A_608 = arith.index_cast %add3A_606 : i32 to index
        %get3A_609 = arith.constant 0 : index
        %get3A_610 = tpu.vector_load %arg11[%get3A_607, %get3A_608, %get3A_609] {strides = array<i32>} : memref<6x80x64xi32, #tpu.memory_space<vmem>>, vector<16xi32>,
        %get3A_611 = arith.index_cast %scan3A_129 : i32 to index
        %get3A_612 = arith.index_cast %add3A_606 : i32 to index
        %get3A_613 = arith.constant 0 : index
        %get3A_614 = tpu.vector_load %arg12[%get3A_611, %get3A_612, %get3A_613] {strides = array<i32>} : memref<6x80x64xi32, #tpu.memory_space<vmem>>, vector<16xi32>,
        %bitcast3A_615 = vector.bitcast %get3A_610 : vector<16xi32> to vector<32xbf16>
        %bitcast3A_616 = vector.bitcast %get3A_614 : vector<16xi32> to vector<32xbf16>
        %mul3A_617 = arith.mulf %bitcast3A_615, %bitcast3A_616 : vector<32xbf16>
        %get3A_618 = arith.index_cast %scan3A_129 : i32 to index
        %get3A_619 = arith.index_cast %add3A_606 : i32 to index
        %get3A_620 = arith.constant 16 : index
        %get3A_621 = tpu.vector_load %arg11[%get3A_618, %get3A_619, %get3A_620] {strides = array<i32>} : memref<6x80x64xi32, #tpu.memory_space<vmem>>, vector<16xi32>,
        %get3A_622 = arith.index_cast %scan3A_129 : i32 to index
        %get3A_623 = arith.index_cast %add3A_606 : i32 to index
        %get3A_624 = arith.constant 16 : index
        %get3A_625 = tpu.vector_load %arg12[%get3A_622, %get3A_623, %get3A_624] {strides = array<i32>} : memref<6x80x64xi32, #tpu.memory_space<vmem>>, vector<16xi32>,
        %bitcast3A_626 = vector.bitcast %get3A_621 : vector<16xi32> to vector<32xbf16>
        %bitcast3A_627 = vector.bitcast %get3A_625 : vector<16xi32> to vector<32xbf16>
        %mul3A_628 = arith.mulf %bitcast3A_626, %bitcast3A_627 : vector<32xbf16>
        %get3A_629 = arith.index_cast %scan3A_129 : i32 to index
        %get3A_630 = arith.index_cast %add3A_606 : i32 to index
        %get3A_631 = arith.constant 32 : index
        %get3A_632 = tpu.vector_load %arg11[%get3A_629, %get3A_630, %get3A_631] {strides = array<i32>} : memref<6x80x64xi32, #tpu.memory_space<vmem>>, vector<16xi32>,
        %get3A_633 = arith.index_cast %scan3A_129 : i32 to index
        %get3A_634 = arith.index_cast %add3A_606 : i32 to index
        %get3A_635 = arith.constant 32 : index
        %get3A_636 = tpu.vector_load %arg12[%get3A_633, %get3A_634, %get3A_635] {strides = array<i32>} : memref<6x80x64xi32, #tpu.memory_space<vmem>>, vector<16xi32>,
        %bitcast3A_637 = vector.bitcast %get3A_632 : vector<16xi32> to vector<32xbf16>
        %bitcast3A_638 = vector.bitcast %get3A_636 : vector<16xi32> to vector<32xbf16>
        %mul3A_639 = arith.mulf %bitcast3A_637, %bitcast3A_638 : vector<32xbf16>
        %get3A_640 = arith.index_cast %scan3A_129 : i32 to index
        %get3A_641 = arith.index_cast %add3A_606 : i32 to index
        %get3A_642 = arith.constant 48 : index
        %get3A_643 = tpu.vector_load %arg11[%get3A_640, %get3A_641, %get3A_642] {strides = array<i32>} : memref<6x80x64xi32, #tpu.memory_space<vmem>>, vector<16xi32>,
        %get3A_644 = arith.index_cast %scan3A_129 : i32 to index
        %get3A_645 = arith.index_cast %add3A_606 : i32 to index
        %get3A_646 = arith.constant 48 : index
        %get3A_647 = tpu.vector_load %arg12[%get3A_644, %get3A_645, %get3A_646] {strides = array<i32>} : memref<6x80x64xi32, #tpu.memory_space<vmem>>, vector<16xi32>,
        %bitcast3A_648 = vector.bitcast %get3A_643 : vector<16xi32> to vector<32xbf16>
        %bitcast3A_649 = vector.bitcast %get3A_647 : vector<16xi32> to vector<32xbf16>
        %mul3A_650 = arith.mulf %bitcast3A_648, %bitcast3A_649 : vector<32xbf16>
        %add3A_651 = arith.addf %mul3A_617, %mul3A_628 : vector<32xbf16>
        %add3A_652 = arith.addf %mul3A_639, %mul3A_650 : vector<32xbf16>
        %add3A_653 = arith.addf %add3A_651, %add3A_652 : vector<32xbf16>
        %unpack3A_654 = tpu.unpack_subelements %add3A_653, 0 {pack_format = #tpu.pack_format<interleaved>} : vector<32xbf16> -> vector<16xf32>
        %unpack3A_655 = tpu.unpack_subelements %add3A_653, 1 {pack_format = #tpu.pack_format<interleaved>} : vector<32xbf16> -> vector<16xf32>
        %add3A_656 = arith.constant 136 : i32
        %add3A_657 = vector.broadcast %add3A_656 : i32 to vector<16xi32>
        %add3A_658 = arith.addi %iota3A, %add3A_657 : vector<16xi32>
        %add3A_659 = arith.addf %unpack3A_654, %unpack3A_655 : vector<16xf32>
        tpu.vector_store_idx %arg10[%add3A_658], %add3A_659 : memref<272xf32, #tpu.memory_space<vmem>>[vector<16xi32>], vector<16xf32>,
        %add3A_660 = arith.constant 9 : i32
        %add3A_661 = arith.addi %mul3A_167, %add3A_660 : i32
        %get3A_662 = arith.index_cast %scan3A_129 : i32 to index
        %get3A_663 = arith.index_cast %add3A_661 : i32 to index
        %get3A_664 = arith.constant 0 : index
        %get3A_665 = tpu.vector_load %arg11[%get3A_662, %get3A_663, %get3A_664] {strides = array<i32>} : memref<6x80x64xi32, #tpu.memory_space<vmem>>, vector<16xi32>,
        %get3A_666 = arith.index_cast %scan3A_129 : i32 to index
        %get3A_667 = arith.index_cast %add3A_661 : i32 to index
        %get3A_668 = arith.constant 0 : index
        %get3A_669 = tpu.vector_load %arg12[%get3A_666, %get3A_667, %get3A_668] {strides = array<i32>} : memref<6x80x64xi32, #tpu.memory_space<vmem>>, vector<16xi32>,
        %bitcast3A_670 = vector.bitcast %get3A_665 : vector<16xi32> to vector<32xbf16>
        %bitcast3A_671 = vector.bitcast %get3A_669 : vector<16xi32> to vector<32xbf16>
        %mul3A_672 = arith.mulf %bitcast3A_670, %bitcast3A_671 : vector<32xbf16>
        %get3A_673 = arith.index_cast %scan3A_129 : i32 to index
        %get3A_674 = arith.index_cast %add3A_661 : i32 to index
        %get3A_675 = arith.constant 16 : index
        %get3A_676 = tpu.vector_load %arg11[%get3A_673, %get3A_674, %get3A_675] {strides = array<i32>} : memref<6x80x64xi32, #tpu.memory_space<vmem>>, vector<16xi32>,
        %get3A_677 = arith.index_cast %scan3A_129 : i32 to index
        %get3A_678 = arith.index_cast %add3A_661 : i32 to index
        %get3A_679 = arith.constant 16 : index
        %get3A_680 = tpu.vector_load %arg12[%get3A_677, %get3A_678, %get3A_679] {strides = array<i32>} : memref<6x80x64xi32, #tpu.memory_space<vmem>>, vector<16xi32>,
        %bitcast3A_681 = vector.bitcast %get3A_676 : vector<16xi32> to vector<32xbf16>
        %bitcast3A_682 = vector.bitcast %get3A_680 : vector<16xi32> to vector<32xbf16>
        %mul3A_683 = arith.mulf %bitcast3A_681, %bitcast3A_682 : vector<32xbf16>
        %get3A_684 = arith.index_cast %scan3A_129 : i32 to index
        %get3A_685 = arith.index_cast %add3A_661 : i32 to index
        %get3A_686 = arith.constant 32 : index
        %get3A_687 = tpu.vector_load %arg11[%get3A_684, %get3A_685, %get3A_686] {strides = array<i32>} : memref<6x80x64xi32, #tpu.memory_space<vmem>>, vector<16xi32>,
        %get3A_688 = arith.index_cast %scan3A_129 : i32 to index
        %get3A_689 = arith.index_cast %add3A_661 : i32 to index
        %get3A_690 = arith.constant 32 : index
        %get3A_691 = tpu.vector_load %arg12[%get3A_688, %get3A_689, %get3A_690] {strides = array<i32>} : memref<6x80x64xi32, #tpu.memory_space<vmem>>, vector<16xi32>,
        %bitcast3A_692 = vector.bitcast %get3A_687 : vector<16xi32> to vector<32xbf16>
        %bitcast3A_693 = vector.bitcast %get3A_691 : vector<16xi32> to vector<32xbf16>
        %mul3A_694 = arith.mulf %bitcast3A_692, %bitcast3A_693 : vector<32xbf16>
        %get3A_695 = arith.index_cast %scan3A_129 : i32 to index
        %get3A_696 = arith.index_cast %add3A_661 : i32 to index
        %get3A_697 = arith.constant 48 : index
        %get3A_698 = tpu.vector_load %arg11[%get3A_695, %get3A_696, %get3A_697] {strides = array<i32>} : memref<6x80x64xi32, #tpu.memory_space<vmem>>, vector<16xi32>,
        %get3A_699 = arith.index_cast %scan3A_129 : i32 to index
        %get3A_700 = arith.index_cast %add3A_661 : i32 to index
        %get3A_701 = arith.constant 48 : index
        %get3A_702 = tpu.vector_load %arg12[%get3A_699, %get3A_700, %get3A_701] {strides = array<i32>} : memref<6x80x64xi32, #tpu.memory_space<vmem>>, vector<16xi32>,
        %bitcast3A_703 = vector.bitcast %get3A_698 : vector<16xi32> to vector<32xbf16>
        %bitcast3A_704 = vector.bitcast %get3A_702 : vector<16xi32> to vector<32xbf16>
        %mul3A_705 = arith.mulf %bitcast3A_703, %bitcast3A_704 : vector<32xbf16>
        %add3A_706 = arith.addf %mul3A_672, %mul3A_683 : vector<32xbf16>
        %add3A_707 = arith.addf %mul3A_694, %mul3A_705 : vector<32xbf16>
        %add3A_708 = arith.addf %add3A_706, %add3A_707 : vector<32xbf16>
        %unpack3A_709 = tpu.unpack_subelements %add3A_708, 0 {pack_format = #tpu.pack_format<interleaved>} : vector<32xbf16> -> vector<16xf32>
        %unpack3A_710 = tpu.unpack_subelements %add3A_708, 1 {pack_format = #tpu.pack_format<interleaved>} : vector<32xbf16> -> vector<16xf32>
        %add3A_711 = arith.constant 153 : i32
        %add3A_712 = vector.broadcast %add3A_711 : i32 to vector<16xi32>
        %add3A_713 = arith.addi %iota3A, %add3A_712 : vector<16xi32>
        %add3A_714 = arith.addf %unpack3A_709, %unpack3A_710 : vector<16xf32>
        tpu.vector_store_idx %arg10[%add3A_713], %add3A_714 : memref<272xf32, #tpu.memory_space<vmem>>[vector<16xi32>], vector<16xf32>,
        %add3A_715 = arith.constant 10 : i32
        %add3A_716 = arith.addi %mul3A_167, %add3A_715 : i32
        %get3A_717 = arith.index_cast %scan3A_129 : i32 to index
        %get3A_718 = arith.index_cast %add3A_716 : i32 to index
        %get3A_719 = arith.constant 0 : index
        %get3A_720 = tpu.vector_load %arg11[%get3A_717, %get3A_718, %get3A_719] {strides = array<i32>} : memref<6x80x64xi32, #tpu.memory_space<vmem>>, vector<16xi32>,
        %get3A_721 = arith.index_cast %scan3A_129 : i32 to index
        %get3A_722 = arith.index_cast %add3A_716 : i32 to index
        %get3A_723 = arith.constant 0 : index
        %get3A_724 = tpu.vector_load %arg12[%get3A_721, %get3A_722, %get3A_723] {strides = array<i32>} : memref<6x80x64xi32, #tpu.memory_space<vmem>>, vector<16xi32>,
        %bitcast3A_725 = vector.bitcast %get3A_720 : vector<16xi32> to vector<32xbf16>
        %bitcast3A_726 = vector.bitcast %get3A_724 : vector<16xi32> to vector<32xbf16>
        %mul3A_727 = arith.mulf %bitcast3A_725, %bitcast3A_726 : vector<32xbf16>
        %get3A_728 = arith.index_cast %scan3A_129 : i32 to index
        %get3A_729 = arith.index_cast %add3A_716 : i32 to index
        %get3A_730 = arith.constant 16 : index
        %get3A_731 = tpu.vector_load %arg11[%get3A_728, %get3A_729, %get3A_730] {strides = array<i32>} : memref<6x80x64xi32, #tpu.memory_space<vmem>>, vector<16xi32>,
        %get3A_732 = arith.index_cast %scan3A_129 : i32 to index
        %get3A_733 = arith.index_cast %add3A_716 : i32 to index
        %get3A_734 = arith.constant 16 : index
        %get3A_735 = tpu.vector_load %arg12[%get3A_732, %get3A_733, %get3A_734] {strides = array<i32>} : memref<6x80x64xi32, #tpu.memory_space<vmem>>, vector<16xi32>,
        %bitcast3A_736 = vector.bitcast %get3A_731 : vector<16xi32> to vector<32xbf16>
        %bitcast3A_737 = vector.bitcast %get3A_735 : vector<16xi32> to vector<32xbf16>
        %mul3A_738 = arith.mulf %bitcast3A_736, %bitcast3A_737 : vector<32xbf16>
        %get3A_739 = arith.index_cast %scan3A_129 : i32 to index
        %get3A_740 = arith.index_cast %add3A_716 : i32 to index
        %get3A_741 = arith.constant 32 : index
        %get3A_742 = tpu.vector_load %arg11[%get3A_739, %get3A_740, %get3A_741] {strides = array<i32>} : memref<6x80x64xi32, #tpu.memory_space<vmem>>, vector<16xi32>,
        %get3A_743 = arith.index_cast %scan3A_129 : i32 to index
        %get3A_744 = arith.index_cast %add3A_716 : i32 to index
        %get3A_745 = arith.constant 32 : index
        %get3A_746 = tpu.vector_load %arg12[%get3A_743, %get3A_744, %get3A_745] {strides = array<i32>} : memref<6x80x64xi32, #tpu.memory_space<vmem>>, vector<16xi32>,
        %bitcast3A_747 = vector.bitcast %get3A_742 : vector<16xi32> to vector<32xbf16>
        %bitcast3A_748 = vector.bitcast %get3A_746 : vector<16xi32> to vector<32xbf16>
        %mul3A_749 = arith.mulf %bitcast3A_747, %bitcast3A_748 : vector<32xbf16>
        %get3A_750 = arith.index_cast %scan3A_129 : i32 to index
        %get3A_751 = arith.index_cast %add3A_716 : i32 to index
        %get3A_752 = arith.constant 48 : index
        %get3A_753 = tpu.vector_load %arg11[%get3A_750, %get3A_751, %get3A_752] {strides = array<i32>} : memref<6x80x64xi32, #tpu.memory_space<vmem>>, vector<16xi32>,
        %get3A_754 = arith.index_cast %scan3A_129 : i32 to index
        %get3A_755 = arith.index_cast %add3A_716 : i32 to index
        %get3A_756 = arith.constant 48 : index
        %get3A_757 = tpu.vector_load %arg12[%get3A_754, %get3A_755, %get3A_756] {strides = array<i32>} : memref<6x80x64xi32, #tpu.memory_space<vmem>>, vector<16xi32>,
        %bitcast3A_758 = vector.bitcast %get3A_753 : vector<16xi32> to vector<32xbf16>
        %bitcast3A_759 = vector.bitcast %get3A_757 : vector<16xi32> to vector<32xbf16>
        %mul3A_760 = arith.mulf %bitcast3A_758, %bitcast3A_759 : vector<32xbf16>
        %add3A_761 = arith.addf %mul3A_727, %mul3A_738 : vector<32xbf16>
        %add3A_762 = arith.addf %mul3A_749, %mul3A_760 : vector<32xbf16>
        %add3A_763 = arith.addf %add3A_761, %add3A_762 : vector<32xbf16>
        %unpack3A_764 = tpu.unpack_subelements %add3A_763, 0 {pack_format = #tpu.pack_format<interleaved>} : vector<32xbf16> -> vector<16xf32>
        %unpack3A_765 = tpu.unpack_subelements %add3A_763, 1 {pack_format = #tpu.pack_format<interleaved>} : vector<32xbf16> -> vector<16xf32>
        %add3A_766 = arith.constant 170 : i32
        %add3A_767 = vector.broadcast %add3A_766 : i32 to vector<16xi32>
        %add3A_768 = arith.addi %iota3A, %add3A_767 : vector<16xi32>
        %add3A_769 = arith.addf %unpack3A_764, %unpack3A_765 : vector<16xf32>
        tpu.vector_store_idx %arg10[%add3A_768], %add3A_769 : memref<272xf32, #tpu.memory_space<vmem>>[vector<16xi32>], vector<16xf32>,
        %add3A_770 = arith.constant 11 : i32
        %add3A_771 = arith.addi %mul3A_167, %add3A_770 : i32
        %get3A_772 = arith.index_cast %scan3A_129 : i32 to index
        %get3A_773 = arith.index_cast %add3A_771 : i32 to index
        %get3A_774 = arith.constant 0 : index
        %get3A_775 = tpu.vector_load %arg11[%get3A_772, %get3A_773, %get3A_774] {strides = array<i32>} : memref<6x80x64xi32, #tpu.memory_space<vmem>>, vector<16xi32>,
        %get3A_776 = arith.index_cast %scan3A_129 : i32 to index
        %get3A_777 = arith.index_cast %add3A_771 : i32 to index
        %get3A_778 = arith.constant 0 : index
        %get3A_779 = tpu.vector_load %arg12[%get3A_776, %get3A_777, %get3A_778] {strides = array<i32>} : memref<6x80x64xi32, #tpu.memory_space<vmem>>, vector<16xi32>,
        %bitcast3A_780 = vector.bitcast %get3A_775 : vector<16xi32> to vector<32xbf16>
        %bitcast3A_781 = vector.bitcast %get3A_779 : vector<16xi32> to vector<32xbf16>
        %mul3A_782 = arith.mulf %bitcast3A_780, %bitcast3A_781 : vector<32xbf16>
        %get3A_783 = arith.index_cast %scan3A_129 : i32 to index
        %get3A_784 = arith.index_cast %add3A_771 : i32 to index
        %get3A_785 = arith.constant 16 : index
        %get3A_786 = tpu.vector_load %arg11[%get3A_783, %get3A_784, %get3A_785] {strides = array<i32>} : memref<6x80x64xi32, #tpu.memory_space<vmem>>, vector<16xi32>,
        %get3A_787 = arith.index_cast %scan3A_129 : i32 to index
        %get3A_788 = arith.index_cast %add3A_771 : i32 to index
        %get3A_789 = arith.constant 16 : index
        %get3A_790 = tpu.vector_load %arg12[%get3A_787, %get3A_788, %get3A_789] {strides = array<i32>} : memref<6x80x64xi32, #tpu.memory_space<vmem>>, vector<16xi32>,
        %bitcast3A_791 = vector.bitcast %get3A_786 : vector<16xi32> to vector<32xbf16>
        %bitcast3A_792 = vector.bitcast %get3A_790 : vector<16xi32> to vector<32xbf16>
        %mul3A_793 = arith.mulf %bitcast3A_791, %bitcast3A_792 : vector<32xbf16>
        %get3A_794 = arith.index_cast %scan3A_129 : i32 to index
        %get3A_795 = arith.index_cast %add3A_771 : i32 to index
        %get3A_796 = arith.constant 32 : index
        %get3A_797 = tpu.vector_load %arg11[%get3A_794, %get3A_795, %get3A_796] {strides = array<i32>} : memref<6x80x64xi32, #tpu.memory_space<vmem>>, vector<16xi32>,
        %get3A_798 = arith.index_cast %scan3A_129 : i32 to index
        %get3A_799 = arith.index_cast %add3A_771 : i32 to index
        %get3A_800 = arith.constant 32 : index
        %get3A_801 = tpu.vector_load %arg12[%get3A_798, %get3A_799, %get3A_800] {strides = array<i32>} : memref<6x80x64xi32, #tpu.memory_space<vmem>>, vector<16xi32>,
        %bitcast3A_802 = vector.bitcast %get3A_797 : vector<16xi32> to vector<32xbf16>
        %bitcast3A_803 = vector.bitcast %get3A_801 : vector<16xi32> to vector<32xbf16>
        %mul3A_804 = arith.mulf %bitcast3A_802, %bitcast3A_803 : vector<32xbf16>
        %get3A_805 = arith.index_cast %scan3A_129 : i32 to index
        %get3A_806 = arith.index_cast %add3A_771 : i32 to index
        %get3A_807 = arith.constant 48 : index
        %get3A_808 = tpu.vector_load %arg11[%get3A_805, %get3A_806, %get3A_807] {strides = array<i32>} : memref<6x80x64xi32, #tpu.memory_space<vmem>>, vector<16xi32>,
        %get3A_809 = arith.index_cast %scan3A_129 : i32 to index
        %get3A_810 = arith.index_cast %add3A_771 : i32 to index
        %get3A_811 = arith.constant 48 : index
        %get3A_812 = tpu.vector_load %arg12[%get3A_809, %get3A_810, %get3A_811] {strides = array<i32>} : memref<6x80x64xi32, #tpu.memory_space<vmem>>, vector<16xi32>,
        %bitcast3A_813 = vector.bitcast %get3A_808 : vector<16xi32> to vector<32xbf16>
        %bitcast3A_814 = vector.bitcast %get3A_812 : vector<16xi32> to vector<32xbf16>
        %mul3A_815 = arith.mulf %bitcast3A_813, %bitcast3A_814 : vector<32xbf16>
        %add3A_816 = arith.addf %mul3A_782, %mul3A_793 : vector<32xbf16>
        %add3A_817 = arith.addf %mul3A_804, %mul3A_815 : vector<32xbf16>
        %add3A_818 = arith.addf %add3A_816, %add3A_817 : vector<32xbf16>
        %unpack3A_819 = tpu.unpack_subelements %add3A_818, 0 {pack_format = #tpu.pack_format<interleaved>} : vector<32xbf16> -> vector<16xf32>
        %unpack3A_820 = tpu.unpack_subelements %add3A_818, 1 {pack_format = #tpu.pack_format<interleaved>} : vector<32xbf16> -> vector<16xf32>
        %add3A_821 = arith.constant 187 : i32
        %add3A_822 = vector.broadcast %add3A_821 : i32 to vector<16xi32>
        %add3A_823 = arith.addi %iota3A, %add3A_822 : vector<16xi32>
        %add3A_824 = arith.addf %unpack3A_819, %unpack3A_820 : vector<16xf32>
        tpu.vector_store_idx %arg10[%add3A_823], %add3A_824 : memref<272xf32, #tpu.memory_space<vmem>>[vector<16xi32>], vector<16xf32>,
        %add3A_825 = arith.constant 12 : i32
        %add3A_826 = arith.addi %mul3A_167, %add3A_825 : i32
        %get3A_827 = arith.index_cast %scan3A_129 : i32 to index
        %get3A_828 = arith.index_cast %add3A_826 : i32 to index
        %get3A_829 = arith.constant 0 : index
        %get3A_830 = tpu.vector_load %arg11[%get3A_827, %get3A_828, %get3A_829] {strides = array<i32>} : memref<6x80x64xi32, #tpu.memory_space<vmem>>, vector<16xi32>,
        %get3A_831 = arith.index_cast %scan3A_129 : i32 to index
        %get3A_832 = arith.index_cast %add3A_826 : i32 to index
        %get3A_833 = arith.constant 0 : index
        %get3A_834 = tpu.vector_load %arg12[%get3A_831, %get3A_832, %get3A_833] {strides = array<i32>} : memref<6x80x64xi32, #tpu.memory_space<vmem>>, vector<16xi32>,
        %bitcast3A_835 = vector.bitcast %get3A_830 : vector<16xi32> to vector<32xbf16>
        %bitcast3A_836 = vector.bitcast %get3A_834 : vector<16xi32> to vector<32xbf16>
        %mul3A_837 = arith.mulf %bitcast3A_835, %bitcast3A_836 : vector<32xbf16>
        %get3A_838 = arith.index_cast %scan3A_129 : i32 to index
        %get3A_839 = arith.index_cast %add3A_826 : i32 to index
        %get3A_840 = arith.constant 16 : index
        %get3A_841 = tpu.vector_load %arg11[%get3A_838, %get3A_839, %get3A_840] {strides = array<i32>} : memref<6x80x64xi32, #tpu.memory_space<vmem>>, vector<16xi32>,
        %get3A_842 = arith.index_cast %scan3A_129 : i32 to index
        %get3A_843 = arith.index_cast %add3A_826 : i32 to index
        %get3A_844 = arith.constant 16 : index
        %get3A_845 = tpu.vector_load %arg12[%get3A_842, %get3A_843, %get3A_844] {strides = array<i32>} : memref<6x80x64xi32, #tpu.memory_space<vmem>>, vector<16xi32>,
        %bitcast3A_846 = vector.bitcast %get3A_841 : vector<16xi32> to vector<32xbf16>
        %bitcast3A_847 = vector.bitcast %get3A_845 : vector<16xi32> to vector<32xbf16>
        %mul3A_848 = arith.mulf %bitcast3A_846, %bitcast3A_847 : vector<32xbf16>
        %get3A_849 = arith.index_cast %scan3A_129 : i32 to index
        %get3A_850 = arith.index_cast %add3A_826 : i32 to index
        %get3A_851 = arith.constant 32 : index
        %get3A_852 = tpu.vector_load %arg11[%get3A_849, %get3A_850, %get3A_851] {strides = array<i32>} : memref<6x80x64xi32, #tpu.memory_space<vmem>>, vector<16xi32>,
        %get3A_853 = arith.index_cast %scan3A_129 : i32 to index
        %get3A_854 = arith.index_cast %add3A_826 : i32 to index
        %get3A_855 = arith.constant 32 : index
        %get3A_856 = tpu.vector_load %arg12[%get3A_853, %get3A_854, %get3A_855] {strides = array<i32>} : memref<6x80x64xi32, #tpu.memory_space<vmem>>, vector<16xi32>,
        %bitcast3A_857 = vector.bitcast %get3A_852 : vector<16xi32> to vector<32xbf16>
        %bitcast3A_858 = vector.bitcast %get3A_856 : vector<16xi32> to vector<32xbf16>
        %mul3A_859 = arith.mulf %bitcast3A_857, %bitcast3A_858 : vector<32xbf16>
        %get3A_860 = arith.index_cast %scan3A_129 : i32 to index
        %get3A_861 = arith.index_cast %add3A_826 : i32 to index
        %get3A_862 = arith.constant 48 : index
        %get3A_863 = tpu.vector_load %arg11[%get3A_860, %get3A_861, %get3A_862] {strides = array<i32>} : memref<6x80x64xi32, #tpu.memory_space<vmem>>, vector<16xi32>,
        %get3A_864 = arith.index_cast %scan3A_129 : i32 to index
        %get3A_865 = arith.index_cast %add3A_826 : i32 to index
        %get3A_866 = arith.constant 48 : index
        %get3A_867 = tpu.vector_load %arg12[%get3A_864, %get3A_865, %get3A_866] {strides = array<i32>} : memref<6x80x64xi32, #tpu.memory_space<vmem>>, vector<16xi32>,
        %bitcast3A_868 = vector.bitcast %get3A_863 : vector<16xi32> to vector<32xbf16>
        %bitcast3A_869 = vector.bitcast %get3A_867 : vector<16xi32> to vector<32xbf16>
        %mul3A_870 = arith.mulf %bitcast3A_868, %bitcast3A_869 : vector<32xbf16>
        %add3A_871 = arith.addf %mul3A_837, %mul3A_848 : vector<32xbf16>
        %add3A_872 = arith.addf %mul3A_859, %mul3A_870 : vector<32xbf16>
        %add3A_873 = arith.addf %add3A_871, %add3A_872 : vector<32xbf16>
        %unpack3A_874 = tpu.unpack_subelements %add3A_873, 0 {pack_format = #tpu.pack_format<interleaved>} : vector<32xbf16> -> vector<16xf32>
        %unpack3A_875 = tpu.unpack_subelements %add3A_873, 1 {pack_format = #tpu.pack_format<interleaved>} : vector<32xbf16> -> vector<16xf32>
        %add3A_876 = arith.constant 204 : i32
        %add3A_877 = vector.broadcast %add3A_876 : i32 to vector<16xi32>
        %add3A_878 = arith.addi %iota3A, %add3A_877 : vector<16xi32>
        %add3A_879 = arith.addf %unpack3A_874, %unpack3A_875 : vector<16xf32>
        tpu.vector_store_idx %arg10[%add3A_878], %add3A_879 : memref<272xf32, #tpu.memory_space<vmem>>[vector<16xi32>], vector<16xf32>,
        %add3A_880 = arith.constant 13 : i32
        %add3A_881 = arith.addi %mul3A_167, %add3A_880 : i32
        %get3A_882 = arith.index_cast %scan3A_129 : i32 to index
        %get3A_883 = arith.index_cast %add3A_881 : i32 to index
        %get3A_884 = arith.constant 0 : index
        %get3A_885 = tpu.vector_load %arg11[%get3A_882, %get3A_883, %get3A_884] {strides = array<i32>} : memref<6x80x64xi32, #tpu.memory_space<vmem>>, vector<16xi32>,
        %get3A_886 = arith.index_cast %scan3A_129 : i32 to index
        %get3A_887 = arith.index_cast %add3A_881 : i32 to index
        %get3A_888 = arith.constant 0 : index
        %get3A_889 = tpu.vector_load %arg12[%get3A_886, %get3A_887, %get3A_888] {strides = array<i32>} : memref<6x80x64xi32, #tpu.memory_space<vmem>>, vector<16xi32>,
        %bitcast3A_890 = vector.bitcast %get3A_885 : vector<16xi32> to vector<32xbf16>
        %bitcast3A_891 = vector.bitcast %get3A_889 : vector<16xi32> to vector<32xbf16>
        %mul3A_892 = arith.mulf %bitcast3A_890, %bitcast3A_891 : vector<32xbf16>
        %get3A_893 = arith.index_cast %scan3A_129 : i32 to index
        %get3A_894 = arith.index_cast %add3A_881 : i32 to index
        %get3A_895 = arith.constant 16 : index
        %get3A_896 = tpu.vector_load %arg11[%get3A_893, %get3A_894, %get3A_895] {strides = array<i32>} : memref<6x80x64xi32, #tpu.memory_space<vmem>>, vector<16xi32>,
        %get3A_897 = arith.index_cast %scan3A_129 : i32 to index
        %get3A_898 = arith.index_cast %add3A_881 : i32 to index
        %get3A_899 = arith.constant 16 : index
        %get3A_900 = tpu.vector_load %arg12[%get3A_897, %get3A_898, %get3A_899] {strides = array<i32>} : memref<6x80x64xi32, #tpu.memory_space<vmem>>, vector<16xi32>,
        %bitcast3A_901 = vector.bitcast %get3A_896 : vector<16xi32> to vector<32xbf16>
        %bitcast3A_902 = vector.bitcast %get3A_900 : vector<16xi32> to vector<32xbf16>
        %mul3A_903 = arith.mulf %bitcast3A_901, %bitcast3A_902 : vector<32xbf16>
        %get3A_904 = arith.index_cast %scan3A_129 : i32 to index
        %get3A_905 = arith.index_cast %add3A_881 : i32 to index
        %get3A_906 = arith.constant 32 : index
        %get3A_907 = tpu.vector_load %arg11[%get3A_904, %get3A_905, %get3A_906] {strides = array<i32>} : memref<6x80x64xi32, #tpu.memory_space<vmem>>, vector<16xi32>,
        %get3A_908 = arith.index_cast %scan3A_129 : i32 to index
        %get3A_909 = arith.index_cast %add3A_881 : i32 to index
        %get3A_910 = arith.constant 32 : index
        %get3A_911 = tpu.vector_load %arg12[%get3A_908, %get3A_909, %get3A_910] {strides = array<i32>} : memref<6x80x64xi32, #tpu.memory_space<vmem>>, vector<16xi32>,
        %bitcast3A_912 = vector.bitcast %get3A_907 : vector<16xi32> to vector<32xbf16>
        %bitcast3A_913 = vector.bitcast %get3A_911 : vector<16xi32> to vector<32xbf16>
        %mul3A_914 = arith.mulf %bitcast3A_912, %bitcast3A_913 : vector<32xbf16>
        %get3A_915 = arith.index_cast %scan3A_129 : i32 to index
        %get3A_916 = arith.index_cast %add3A_881 : i32 to index
        %get3A_917 = arith.constant 48 : index
        %get3A_918 = tpu.vector_load %arg11[%get3A_915, %get3A_916, %get3A_917] {strides = array<i32>} : memref<6x80x64xi32, #tpu.memory_space<vmem>>, vector<16xi32>,
        %get3A_919 = arith.index_cast %scan3A_129 : i32 to index
        %get3A_920 = arith.index_cast %add3A_881 : i32 to index
        %get3A_921 = arith.constant 48 : index
        %get3A_922 = tpu.vector_load %arg12[%get3A_919, %get3A_920, %get3A_921] {strides = array<i32>} : memref<6x80x64xi32, #tpu.memory_space<vmem>>, vector<16xi32>,
        %bitcast3A_923 = vector.bitcast %get3A_918 : vector<16xi32> to vector<32xbf16>
        %bitcast3A_924 = vector.bitcast %get3A_922 : vector<16xi32> to vector<32xbf16>
        %mul3A_925 = arith.mulf %bitcast3A_923, %bitcast3A_924 : vector<32xbf16>
        %add3A_926 = arith.addf %mul3A_892, %mul3A_903 : vector<32xbf16>
        %add3A_927 = arith.addf %mul3A_914, %mul3A_925 : vector<32xbf16>
        %add3A_928 = arith.addf %add3A_926, %add3A_927 : vector<32xbf16>
        %unpack3A_929 = tpu.unpack_subelements %add3A_928, 0 {pack_format = #tpu.pack_format<interleaved>} : vector<32xbf16> -> vector<16xf32>
        %unpack3A_930 = tpu.unpack_subelements %add3A_928, 1 {pack_format = #tpu.pack_format<interleaved>} : vector<32xbf16> -> vector<16xf32>
        %add3A_931 = arith.constant 221 : i32
        %add3A_932 = vector.broadcast %add3A_931 : i32 to vector<16xi32>
        %add3A_933 = arith.addi %iota3A, %add3A_932 : vector<16xi32>
        %add3A_934 = arith.addf %unpack3A_929, %unpack3A_930 : vector<16xf32>
        tpu.vector_store_idx %arg10[%add3A_933], %add3A_934 : memref<272xf32, #tpu.memory_space<vmem>>[vector<16xi32>], vector<16xf32>,
        %add3A_935 = arith.constant 14 : i32
        %add3A_936 = arith.addi %mul3A_167, %add3A_935 : i32
        %get3A_937 = arith.index_cast %scan3A_129 : i32 to index
        %get3A_938 = arith.index_cast %add3A_936 : i32 to index
        %get3A_939 = arith.constant 0 : index
        %get3A_940 = tpu.vector_load %arg11[%get3A_937, %get3A_938, %get3A_939] {strides = array<i32>} : memref<6x80x64xi32, #tpu.memory_space<vmem>>, vector<16xi32>,
        %get3A_941 = arith.index_cast %scan3A_129 : i32 to index
        %get3A_942 = arith.index_cast %add3A_936 : i32 to index
        %get3A_943 = arith.constant 0 : index
        %get3A_944 = tpu.vector_load %arg12[%get3A_941, %get3A_942, %get3A_943] {strides = array<i32>} : memref<6x80x64xi32, #tpu.memory_space<vmem>>, vector<16xi32>,
        %bitcast3A_945 = vector.bitcast %get3A_940 : vector<16xi32> to vector<32xbf16>
        %bitcast3A_946 = vector.bitcast %get3A_944 : vector<16xi32> to vector<32xbf16>
        %mul3A_947 = arith.mulf %bitcast3A_945, %bitcast3A_946 : vector<32xbf16>
        %get3A_948 = arith.index_cast %scan3A_129 : i32 to index
        %get3A_949 = arith.index_cast %add3A_936 : i32 to index
        %get3A_950 = arith.constant 16 : index
        %get3A_951 = tpu.vector_load %arg11[%get3A_948, %get3A_949, %get3A_950] {strides = array<i32>} : memref<6x80x64xi32, #tpu.memory_space<vmem>>, vector<16xi32>,
        %get3A_952 = arith.index_cast %scan3A_129 : i32 to index
        %get3A_953 = arith.index_cast %add3A_936 : i32 to index
        %get3A_954 = arith.constant 16 : index
        %get3A_955 = tpu.vector_load %arg12[%get3A_952, %get3A_953, %get3A_954] {strides = array<i32>} : memref<6x80x64xi32, #tpu.memory_space<vmem>>, vector<16xi32>,
        %bitcast3A_956 = vector.bitcast %get3A_951 : vector<16xi32> to vector<32xbf16>
        %bitcast3A_957 = vector.bitcast %get3A_955 : vector<16xi32> to vector<32xbf16>
        %mul3A_958 = arith.mulf %bitcast3A_956, %bitcast3A_957 : vector<32xbf16>
        %get3A_959 = arith.index_cast %scan3A_129 : i32 to index
        %get3A_960 = arith.index_cast %add3A_936 : i32 to index
        %get3A_961 = arith.constant 32 : index
        %get3A_962 = tpu.vector_load %arg11[%get3A_959, %get3A_960, %get3A_961] {strides = array<i32>} : memref<6x80x64xi32, #tpu.memory_space<vmem>>, vector<16xi32>,
        %get3A_963 = arith.index_cast %scan3A_129 : i32 to index
        %get3A_964 = arith.index_cast %add3A_936 : i32 to index
        %get3A_965 = arith.constant 32 : index
        %get3A_966 = tpu.vector_load %arg12[%get3A_963, %get3A_964, %get3A_965] {strides = array<i32>} : memref<6x80x64xi32, #tpu.memory_space<vmem>>, vector<16xi32>,
        %bitcast3A_967 = vector.bitcast %get3A_962 : vector<16xi32> to vector<32xbf16>
        %bitcast3A_968 = vector.bitcast %get3A_966 : vector<16xi32> to vector<32xbf16>
        %mul3A_969 = arith.mulf %bitcast3A_967, %bitcast3A_968 : vector<32xbf16>
        %get3A_970 = arith.index_cast %scan3A_129 : i32 to index
        %get3A_971 = arith.index_cast %add3A_936 : i32 to index
        %get3A_972 = arith.constant 48 : index
        %get3A_973 = tpu.vector_load %arg11[%get3A_970, %get3A_971, %get3A_972] {strides = array<i32>} : memref<6x80x64xi32, #tpu.memory_space<vmem>>, vector<16xi32>,
        %get3A_974 = arith.index_cast %scan3A_129 : i32 to index
        %get3A_975 = arith.index_cast %add3A_936 : i32 to index
        %get3A_976 = arith.constant 48 : index
        %get3A_977 = tpu.vector_load %arg12[%get3A_974, %get3A_975, %get3A_976] {strides = array<i32>} : memref<6x80x64xi32, #tpu.memory_space<vmem>>, vector<16xi32>,
        %bitcast3A_978 = vector.bitcast %get3A_973 : vector<16xi32> to vector<32xbf16>
        %bitcast3A_979 = vector.bitcast %get3A_977 : vector<16xi32> to vector<32xbf16>
        %mul3A_980 = arith.mulf %bitcast3A_978, %bitcast3A_979 : vector<32xbf16>
        %add3A_981 = arith.addf %mul3A_947, %mul3A_958 : vector<32xbf16>
        %add3A_982 = arith.addf %mul3A_969, %mul3A_980 : vector<32xbf16>
        %add3A_983 = arith.addf %add3A_981, %add3A_982 : vector<32xbf16>
        %unpack3A_984 = tpu.unpack_subelements %add3A_983, 0 {pack_format = #tpu.pack_format<interleaved>} : vector<32xbf16> -> vector<16xf32>
        %unpack3A_985 = tpu.unpack_subelements %add3A_983, 1 {pack_format = #tpu.pack_format<interleaved>} : vector<32xbf16> -> vector<16xf32>
        %add3A_986 = arith.constant 238 : i32
        %add3A_987 = vector.broadcast %add3A_986 : i32 to vector<16xi32>
        %add3A_988 = arith.addi %iota3A, %add3A_987 : vector<16xi32>
        %add3A_989 = arith.addf %unpack3A_984, %unpack3A_985 : vector<16xf32>
        tpu.vector_store_idx %arg10[%add3A_988], %add3A_989 : memref<272xf32, #tpu.memory_space<vmem>>[vector<16xi32>], vector<16xf32>,
        %add3A_990 = arith.constant 15 : i32
        %add3A_991 = arith.addi %mul3A_167, %add3A_990 : i32
        %get3A_992 = arith.index_cast %scan3A_129 : i32 to index
        %get3A_993 = arith.index_cast %add3A_991 : i32 to index
        %get3A_994 = arith.constant 0 : index
        %get3A_995 = tpu.vector_load %arg11[%get3A_992, %get3A_993, %get3A_994] {strides = array<i32>} : memref<6x80x64xi32, #tpu.memory_space<vmem>>, vector<16xi32>,
        %get3A_996 = arith.index_cast %scan3A_129 : i32 to index
        %get3A_997 = arith.index_cast %add3A_991 : i32 to index
        %get3A_998 = arith.constant 0 : index
        %get3A_999 = tpu.vector_load %arg12[%get3A_996, %get3A_997, %get3A_998] {strides = array<i32>} : memref<6x80x64xi32, #tpu.memory_space<vmem>>, vector<16xi32>,
        %bitcast3A_1000 = vector.bitcast %get3A_995 : vector<16xi32> to vector<32xbf16>
        %bitcast3A_1001 = vector.bitcast %get3A_999 : vector<16xi32> to vector<32xbf16>
        %mul3A_1002 = arith.mulf %bitcast3A_1000, %bitcast3A_1001 : vector<32xbf16>
        %get3A_1003 = arith.index_cast %scan3A_129 : i32 to index
        %get3A_1004 = arith.index_cast %add3A_991 : i32 to index
        %get3A_1005 = arith.constant 16 : index
        %get3A_1006 = tpu.vector_load %arg11[%get3A_1003, %get3A_1004, %get3A_1005] {strides = array<i32>} : memref<6x80x64xi32, #tpu.memory_space<vmem>>, vector<16xi32>,
        %get3A_1007 = arith.index_cast %scan3A_129 : i32 to index
        %get3A_1008 = arith.index_cast %add3A_991 : i32 to index
        %get3A_1009 = arith.constant 16 : index
        %get3A_1010 = tpu.vector_load %arg12[%get3A_1007, %get3A_1008, %get3A_1009] {strides = array<i32>} : memref<6x80x64xi32, #tpu.memory_space<vmem>>, vector<16xi32>,
        %bitcast3A_1011 = vector.bitcast %get3A_1006 : vector<16xi32> to vector<32xbf16>
        %bitcast3A_1012 = vector.bitcast %get3A_1010 : vector<16xi32> to vector<32xbf16>
        %mul3A_1013 = arith.mulf %bitcast3A_1011, %bitcast3A_1012 : vector<32xbf16>
        %get3A_1014 = arith.index_cast %scan3A_129 : i32 to index
        %get3A_1015 = arith.index_cast %add3A_991 : i32 to index
        %get3A_1016 = arith.constant 32 : index
        %get3A_1017 = tpu.vector_load %arg11[%get3A_1014, %get3A_1015, %get3A_1016] {strides = array<i32>} : memref<6x80x64xi32, #tpu.memory_space<vmem>>, vector<16xi32>,
        %get3A_1018 = arith.index_cast %scan3A_129 : i32 to index
        %get3A_1019 = arith.index_cast %add3A_991 : i32 to index
        %get3A_1020 = arith.constant 32 : index
        %get3A_1021 = tpu.vector_load %arg12[%get3A_1018, %get3A_1019, %get3A_1020] {strides = array<i32>} : memref<6x80x64xi32, #tpu.memory_space<vmem>>, vector<16xi32>,
        %bitcast3A_1022 = vector.bitcast %get3A_1017 : vector<16xi32> to vector<32xbf16>
        %bitcast3A_1023 = vector.bitcast %get3A_1021 : vector<16xi32> to vector<32xbf16>
        %mul3A_1024 = arith.mulf %bitcast3A_1022, %bitcast3A_1023 : vector<32xbf16>
        %get3A_1025 = arith.index_cast %scan3A_129 : i32 to index
        %get3A_1026 = arith.index_cast %add3A_991 : i32 to index
        %get3A_1027 = arith.constant 48 : index
        %get3A_1028 = tpu.vector_load %arg11[%get3A_1025, %get3A_1026, %get3A_1027] {strides = array<i32>} : memref<6x80x64xi32, #tpu.memory_space<vmem>>, vector<16xi32>,
        %get3A_1029 = arith.index_cast %scan3A_129 : i32 to index
        %get3A_1030 = arith.index_cast %add3A_991 : i32 to index
        %get3A_1031 = arith.constant 48 : index
        %get3A_1032 = tpu.vector_load %arg12[%get3A_1029, %get3A_1030, %get3A_1031] {strides = array<i32>} : memref<6x80x64xi32, #tpu.memory_space<vmem>>, vector<16xi32>,
        %bitcast3A_1033 = vector.bitcast %get3A_1028 : vector<16xi32> to vector<32xbf16>
        %bitcast3A_1034 = vector.bitcast %get3A_1032 : vector<16xi32> to vector<32xbf16>
        %mul3A_1035 = arith.mulf %bitcast3A_1033, %bitcast3A_1034 : vector<32xbf16>
        %add3A_1036 = arith.addf %mul3A_1002, %mul3A_1013 : vector<32xbf16>
        %add3A_1037 = arith.addf %mul3A_1024, %mul3A_1035 : vector<32xbf16>
        %add3A_1038 = arith.addf %add3A_1036, %add3A_1037 : vector<32xbf16>
        %unpack3A_1039 = tpu.unpack_subelements %add3A_1038, 0 {pack_format = #tpu.pack_format<interleaved>} : vector<32xbf16> -> vector<16xf32>
        %unpack3A_1040 = tpu.unpack_subelements %add3A_1038, 1 {pack_format = #tpu.pack_format<interleaved>} : vector<32xbf16> -> vector<16xf32>
        %add3A_1041 = arith.constant 255 : i32
        %add3A_1042 = vector.broadcast %add3A_1041 : i32 to vector<16xi32>
        %add3A_1043 = arith.addi %iota3A, %add3A_1042 : vector<16xi32>
        %add3A_1044 = arith.addf %unpack3A_1039, %unpack3A_1040 : vector<16xf32>
        tpu.vector_store_idx %arg10[%add3A_1043], %add3A_1044 : memref<272xf32, #tpu.memory_space<vmem>>[vector<16xi32>], vector<16xf32>,
        %broadcast_in_dim3A = arith.constant 0.000000e+00 : f32
        %broadcast_in_dim3A_1045 = vector.broadcast %broadcast_in_dim3A : f32 to vector<16xf32>
        %mul3A_1046 = arith.constant 17 : i32
        %mul3A_1047 = vector.broadcast %mul3A_1046 : i32 to vector<16xi32>
        %mul3A_1048 = arith.muli %iota3A, %mul3A_1047 : vector<16xi32>
        %add3A_1049 = arith.constant 0 : i32
        %add3A_1050 = vector.broadcast %add3A_1049 : i32 to vector<16xi32>
        %add3A_1051 = arith.addi %mul3A_1048, %add3A_1050 : vector<16xi32>
        %gather3A = tpu.vector_load_idx %arg10[%add3A_1051] : memref<272xf32, #tpu.memory_space<vmem>>[vector<16xi32>], vector<16xf32>,
        %add3A_1052 = arith.addf %broadcast_in_dim3A_1045, %gather3A : vector<16xf32>
        %mul3A_1053 = arith.constant 17 : i32
        %mul3A_1054 = vector.broadcast %mul3A_1053 : i32 to vector<16xi32>
        %mul3A_1055 = arith.muli %iota3A, %mul3A_1054 : vector<16xi32>
        %add3A_1056 = arith.constant 1 : i32
        %add3A_1057 = vector.broadcast %add3A_1056 : i32 to vector<16xi32>
        %add3A_1058 = arith.addi %mul3A_1055, %add3A_1057 : vector<16xi32>
        %gather3A_1059 = tpu.vector_load_idx %arg10[%add3A_1058] : memref<272xf32, #tpu.memory_space<vmem>>[vector<16xi32>], vector<16xf32>,
        %add3A_1060 = arith.addf %add3A_1052, %gather3A_1059 : vector<16xf32>
        %mul3A_1061 = arith.constant 17 : i32
        %mul3A_1062 = vector.broadcast %mul3A_1061 : i32 to vector<16xi32>
        %mul3A_1063 = arith.muli %iota3A, %mul3A_1062 : vector<16xi32>
        %add3A_1064 = arith.constant 2 : i32
        %add3A_1065 = vector.broadcast %add3A_1064 : i32 to vector<16xi32>
        %add3A_1066 = arith.addi %mul3A_1063, %add3A_1065 : vector<16xi32>
        %gather3A_1067 = tpu.vector_load_idx %arg10[%add3A_1066] : memref<272xf32, #tpu.memory_space<vmem>>[vector<16xi32>], vector<16xf32>,
        %add3A_1068 = arith.addf %add3A_1060, %gather3A_1067 : vector<16xf32>
        %mul3A_1069 = arith.constant 17 : i32
        %mul3A_1070 = vector.broadcast %mul3A_1069 : i32 to vector<16xi32>
        %mul3A_1071 = arith.muli %iota3A, %mul3A_1070 : vector<16xi32>
        %add3A_1072 = arith.constant 3 : i32
        %add3A_1073 = vector.broadcast %add3A_1072 : i32 to vector<16xi32>
        %add3A_1074 = arith.addi %mul3A_1071, %add3A_1073 : vector<16xi32>
        %gather3A_1075 = tpu.vector_load_idx %arg10[%add3A_1074] : memref<272xf32, #tpu.memory_space<vmem>>[vector<16xi32>], vector<16xf32>,
        %add3A_1076 = arith.addf %add3A_1068, %gather3A_1075 : vector<16xf32>
        %mul3A_1077 = arith.constant 17 : i32
        %mul3A_1078 = vector.broadcast %mul3A_1077 : i32 to vector<16xi32>
        %mul3A_1079 = arith.muli %iota3A, %mul3A_1078 : vector<16xi32>
        %add3A_1080 = arith.constant 4 : i32
        %add3A_1081 = vector.broadcast %add3A_1080 : i32 to vector<16xi32>
        %add3A_1082 = arith.addi %mul3A_1079, %add3A_1081 : vector<16xi32>
        %gather3A_1083 = tpu.vector_load_idx %arg10[%add3A_1082] : memref<272xf32, #tpu.memory_space<vmem>>[vector<16xi32>], vector<16xf32>,
        %add3A_1084 = arith.addf %add3A_1076, %gather3A_1083 : vector<16xf32>
        %mul3A_1085 = arith.constant 17 : i32
        %mul3A_1086 = vector.broadcast %mul3A_1085 : i32 to vector<16xi32>
        %mul3A_1087 = arith.muli %iota3A, %mul3A_1086 : vector<16xi32>
        %add3A_1088 = arith.constant 5 : i32
        %add3A_1089 = vector.broadcast %add3A_1088 : i32 to vector<16xi32>
        %add3A_1090 = arith.addi %mul3A_1087, %add3A_1089 : vector<16xi32>
        %gather3A_1091 = tpu.vector_load_idx %arg10[%add3A_1090] : memref<272xf32, #tpu.memory_space<vmem>>[vector<16xi32>], vector<16xf32>,
        %add3A_1092 = arith.addf %add3A_1084, %gather3A_1091 : vector<16xf32>
        %mul3A_1093 = arith.constant 17 : i32
        %mul3A_1094 = vector.broadcast %mul3A_1093 : i32 to vector<16xi32>
        %mul3A_1095 = arith.muli %iota3A, %mul3A_1094 : vector<16xi32>
        %add3A_1096 = arith.constant 6 : i32
        %add3A_1097 = vector.broadcast %add3A_1096 : i32 to vector<16xi32>
        %add3A_1098 = arith.addi %mul3A_1095, %add3A_1097 : vector<16xi32>
        %gather3A_1099 = tpu.vector_load_idx %arg10[%add3A_1098] : memref<272xf32, #tpu.memory_space<vmem>>[vector<16xi32>], vector<16xf32>,
        %add3A_1100 = arith.addf %add3A_1092, %gather3A_1099 : vector<16xf32>
        %mul3A_1101 = arith.constant 17 : i32
        %mul3A_1102 = vector.broadcast %mul3A_1101 : i32 to vector<16xi32>
        %mul3A_1103 = arith.muli %iota3A, %mul3A_1102 : vector<16xi32>
        %add3A_1104 = arith.constant 7 : i32
        %add3A_1105 = vector.broadcast %add3A_1104 : i32 to vector<16xi32>
        %add3A_1106 = arith.addi %mul3A_1103, %add3A_1105 : vector<16xi32>
        %gather3A_1107 = tpu.vector_load_idx %arg10[%add3A_1106] : memref<272xf32, #tpu.memory_space<vmem>>[vector<16xi32>], vector<16xf32>,
        %add3A_1108 = arith.addf %add3A_1100, %gather3A_1107 : vector<16xf32>
        %mul3A_1109 = arith.constant 17 : i32
        %mul3A_1110 = vector.broadcast %mul3A_1109 : i32 to vector<16xi32>
        %mul3A_1111 = arith.muli %iota3A, %mul3A_1110 : vector<16xi32>
        %add3A_1112 = arith.constant 8 : i32
        %add3A_1113 = vector.broadcast %add3A_1112 : i32 to vector<16xi32>
        %add3A_1114 = arith.addi %mul3A_1111, %add3A_1113 : vector<16xi32>
        %gather3A_1115 = tpu.vector_load_idx %arg10[%add3A_1114] : memref<272xf32, #tpu.memory_space<vmem>>[vector<16xi32>], vector<16xf32>,
        %add3A_1116 = arith.addf %add3A_1108, %gather3A_1115 : vector<16xf32>
        %mul3A_1117 = arith.constant 17 : i32
        %mul3A_1118 = vector.broadcast %mul3A_1117 : i32 to vector<16xi32>
        %mul3A_1119 = arith.muli %iota3A, %mul3A_1118 : vector<16xi32>
        %add3A_1120 = arith.constant 9 : i32
        %add3A_1121 = vector.broadcast %add3A_1120 : i32 to vector<16xi32>
        %add3A_1122 = arith.addi %mul3A_1119, %add3A_1121 : vector<16xi32>
        %gather3A_1123 = tpu.vector_load_idx %arg10[%add3A_1122] : memref<272xf32, #tpu.memory_space<vmem>>[vector<16xi32>], vector<16xf32>,
        %add3A_1124 = arith.addf %add3A_1116, %gather3A_1123 : vector<16xf32>
        %mul3A_1125 = arith.constant 17 : i32
        %mul3A_1126 = vector.broadcast %mul3A_1125 : i32 to vector<16xi32>
        %mul3A_1127 = arith.muli %iota3A, %mul3A_1126 : vector<16xi32>
        %add3A_1128 = arith.constant 10 : i32
        %add3A_1129 = vector.broadcast %add3A_1128 : i32 to vector<16xi32>
        %add3A_1130 = arith.addi %mul3A_1127, %add3A_1129 : vector<16xi32>
        %gather3A_1131 = tpu.vector_load_idx %arg10[%add3A_1130] : memref<272xf32, #tpu.memory_space<vmem>>[vector<16xi32>], vector<16xf32>,
        %add3A_1132 = arith.addf %add3A_1124, %gather3A_1131 : vector<16xf32>
        %mul3A_1133 = arith.constant 17 : i32
        %mul3A_1134 = vector.broadcast %mul3A_1133 : i32 to vector<16xi32>
        %mul3A_1135 = arith.muli %iota3A, %mul3A_1134 : vector<16xi32>
        %add3A_1136 = arith.constant 11 : i32
        %add3A_1137 = vector.broadcast %add3A_1136 : i32 to vector<16xi32>
        %add3A_1138 = arith.addi %mul3A_1135, %add3A_1137 : vector<16xi32>
        %gather3A_1139 = tpu.vector_load_idx %arg10[%add3A_1138] : memref<272xf32, #tpu.memory_space<vmem>>[vector<16xi32>], vector<16xf32>,
        %add3A_1140 = arith.addf %add3A_1132, %gather3A_1139 : vector<16xf32>
        %mul3A_1141 = arith.constant 17 : i32
        %mul3A_1142 = vector.broadcast %mul3A_1141 : i32 to vector<16xi32>
        %mul3A_1143 = arith.muli %iota3A, %mul3A_1142 : vector<16xi32>
        %add3A_1144 = arith.constant 12 : i32
        %add3A_1145 = vector.broadcast %add3A_1144 : i32 to vector<16xi32>
        %add3A_1146 = arith.addi %mul3A_1143, %add3A_1145 : vector<16xi32>
        %gather3A_1147 = tpu.vector_load_idx %arg10[%add3A_1146] : memref<272xf32, #tpu.memory_space<vmem>>[vector<16xi32>], vector<16xf32>,
        %add3A_1148 = arith.addf %add3A_1140, %gather3A_1147 : vector<16xf32>
        %mul3A_1149 = arith.constant 17 : i32
        %mul3A_1150 = vector.broadcast %mul3A_1149 : i32 to vector<16xi32>
        %mul3A_1151 = arith.muli %iota3A, %mul3A_1150 : vector<16xi32>
        %add3A_1152 = arith.constant 13 : i32
        %add3A_1153 = vector.broadcast %add3A_1152 : i32 to vector<16xi32>
        %add3A_1154 = arith.addi %mul3A_1151, %add3A_1153 : vector<16xi32>
        %gather3A_1155 = tpu.vector_load_idx %arg10[%add3A_1154] : memref<272xf32, #tpu.memory_space<vmem>>[vector<16xi32>], vector<16xf32>,
        %add3A_1156 = arith.addf %add3A_1148, %gather3A_1155 : vector<16xf32>
        %mul3A_1157 = arith.constant 17 : i32
        %mul3A_1158 = vector.broadcast %mul3A_1157 : i32 to vector<16xi32>
        %mul3A_1159 = arith.muli %iota3A, %mul3A_1158 : vector<16xi32>
        %add3A_1160 = arith.constant 14 : i32
        %add3A_1161 = vector.broadcast %add3A_1160 : i32 to vector<16xi32>
        %add3A_1162 = arith.addi %mul3A_1159, %add3A_1161 : vector<16xi32>
        %gather3A_1163 = tpu.vector_load_idx %arg10[%add3A_1162] : memref<272xf32, #tpu.memory_space<vmem>>[vector<16xi32>], vector<16xf32>,
        %add3A_1164 = arith.addf %add3A_1156, %gather3A_1163 : vector<16xf32>
        %mul3A_1165 = arith.constant 17 : i32
        %mul3A_1166 = vector.broadcast %mul3A_1165 : i32 to vector<16xi32>
        %mul3A_1167 = arith.muli %iota3A, %mul3A_1166 : vector<16xi32>
        %add3A_1168 = arith.constant 15 : i32
        %add3A_1169 = vector.broadcast %add3A_1168 : i32 to vector<16xi32>
        %add3A_1170 = arith.addi %mul3A_1167, %add3A_1169 : vector<16xi32>
        %gather3A_1171 = tpu.vector_load_idx %arg10[%add3A_1170] : memref<272xf32, #tpu.memory_space<vmem>>[vector<16xi32>], vector<16xf32>,
        %add3A_1172 = arith.addf %add3A_1164, %gather3A_1171 : vector<16xf32>
        %neg3A = arith.constant 0.000000e+00 : f32
        %neg3A_1173 = vector.broadcast %neg3A : f32 to vector<16xf32>
        %neg3A_1174 = arith.subf %neg3A_1173, %add3A_1172 : vector<16xf32>
        %exp3A = math.exp %neg3A_1174 : vector<16xf32>
        %add3A_1175 = arith.constant 1.000000e+00 : f32
        %add3A_1176 = vector.broadcast %add3A_1175 : f32 to vector<16xf32>
        %add3A_1177 = arith.addf %add3A_1176, %exp3A : vector<16xf32>
        %div3A = arith.constant 1.000000e+00 : f32
        %div3A_1178 = vector.broadcast %div3A : f32 to vector<16xf32>
        %div3A_1179 = arith.divf %div3A_1178, %add3A_1177 : vector<16xf32>
        %mul3A_1180 = arith.constant 80 : i32
        %mul3A_1181 = arith.muli %scan3A_128, %mul3A_1180 : i32
        %mul3A_1182 = arith.constant 16 : i32
        %mul3A_1183 = arith.muli %scan3A_165, %mul3A_1182 : i32
        %add3A_1184 = arith.addi %mul3A_1181, %mul3A_1183 : i32
        %swap3A = arith.index_cast %add3A_1184 : i32 to index
        %swap3A_1185 = tpu.vector_load %arg9[%swap3A] {strides = array<i32>} : memref<10000xf32, #tpu.memory_space<vmem>>, vector<16xf32>,
        tpu.vector_store %arg9[%swap3A], %div3A_1179 {strides = array<i32>} : memref<10000xf32, #tpu.memory_space<vmem>>, vector<16xf32>,
      }
      %scan3A_154 = arith.constant 5 : i32
      %add3A_155 = arith.constant 6 : i32
      %add3A_156 = arith.addi %scan3A_128, %add3A_155 : i32
      %le3A = arith.constant 124 : i32
      %le3A_157 = arith.cmpi sle, %add3A_156, %le3A : i32
      %convert_element_type3A = arith.extui %le3A_157 : i1 to i32
      %cond3A = arith.constant 0 : i32
      %cond3A_158 = arith.cmpi ne, %convert_element_type3A, %cond3A : i32
      scf.if %cond3A_158 {
        %add3A_165 = arith.constant 6 : i32
        %add3A_166 = arith.addi %scan3A_128, %add3A_165 : i32
        %mul3A_167 = arith.constant 80 : i32
        %mul3A_168 = arith.muli %add3A_166, %mul3A_167 : i32
        %dma_start3A_169 = arith.constant 0 : i32
        %dma_start3A_170 = arith.constant 0 : i32
        %dma_start3A_171 = tpu.memref_slice %arg11[%scan3A_129, %dma_start3A_169, %dma_start3A_170] : memref<6x80x64xi32, #tpu.memory_space<vmem>> -> memref<1x80x64xi32, #tpu.memory_space<vmem>>
        %dma_start3A_172 = tpu.memref_squeeze %dma_start3A_171 : memref<1x80x64xi32, #tpu.memory_space<vmem>> -> memref<80x64xi32, #tpu.memory_space<vmem>>
        %dma_start3A_173 = tpu.memref_slice %arg7[%mul3A_168] : memref<10000xi32, #tpu.memory_space<vmem>> -> memref<80xi32, #tpu.memory_space<vmem>>
        %dma_start3A_174 = arith.constant 0 : i32
        %dma_start3A_175 = arith.constant 0 : i32
        %dma_start3A_176 = tpu.memref_slice %arg2[%dma_start3A_174, %dma_start3A_175] : memref<10000x64xi32, #tpu.memory_space<hbm>> -> memref<10000x64xi32, #tpu.memory_space<hbm>>
        tpu.enqueue_indirect_dma source(%dma_start3A_176 : memref<10000x64xi32, #tpu.memory_space<hbm>>) target(%dma_start3A_172 : memref<80x64xi32, #tpu.memory_space<vmem>>) offsets(%dma_start3A_173 : memref<80xi32, #tpu.memory_space<vmem>>) semaphore(%arg13 : memref<!tpu.dma_semaphore, #tpu.memory_space<semaphore_mem>>)
        %mul3A_177 = arith.constant 80 : i32
        %mul3A_178 = arith.muli %add3A_166, %mul3A_177 : i32
        %dma_start3A_179 = arith.constant 0 : i32
        %dma_start3A_180 = arith.constant 0 : i32
        %dma_start3A_181 = tpu.memref_slice %arg12[%scan3A_129, %dma_start3A_179, %dma_start3A_180] : memref<6x80x64xi32, #tpu.memory_space<vmem>> -> memref<1x80x64xi32, #tpu.memory_space<vmem>>
        %dma_start3A_182 = tpu.memref_squeeze %dma_start3A_181 : memref<1x80x64xi32, #tpu.memory_space<vmem>> -> memref<80x64xi32, #tpu.memory_space<vmem>>
        %dma_start3A_183 = tpu.memref_slice %arg8[%mul3A_178] : memref<10000xi32, #tpu.memory_space<vmem>> -> memref<80xi32, #tpu.memory_space<vmem>>
        %dma_start3A_184 = arith.constant 0 : i32
        %dma_start3A_185 = arith.constant 0 : i32
        %dma_start3A_186 = tpu.memref_slice %arg3[%dma_start3A_184, %dma_start3A_185] : memref<10000x64xi32, #tpu.memory_space<hbm>> -> memref<10000x64xi32, #tpu.memory_space<hbm>>
        tpu.enqueue_indirect_dma source(%dma_start3A_186 : memref<10000x64xi32, #tpu.memory_space<hbm>>) target(%dma_start3A_182 : memref<80x64xi32, #tpu.memory_space<vmem>>) offsets(%dma_start3A_183 : memref<80xi32, #tpu.memory_space<vmem>>) semaphore(%arg14 : memref<!tpu.dma_semaphore, #tpu.memory_space<semaphore_mem>>)
      } else {
      }
      %add3A_159 = arith.constant 1 : i32
      %add3A_160 = arith.addi %scan3A_129, %add3A_159 : i32
      %eq3A = arith.constant 6 : i32
      %eq3A_161 = arith.cmpi eq, %add3A_160, %eq3A : i32
      %add3A_162 = arith.constant 1 : i32
      %add3A_163 = arith.addi %scan3A_129, %add3A_162 : i32
      %select_n3A = arith.constant 0 : i32
      %select_n3A_164 = arith.select %eq3A_161, %select_n3A, %add3A_163 : i32
      scf.yield %select_n3A_164 : i32
    }
    %scan3A_127 = arith.constant 125 : i32
    "tpu.region"() ({
      %run_scoped3A = tpu.sem_alloc : memref<!tpu.dma_semaphore, #tpu.memory_space<semaphore_mem>>
      %dma_start3A_128 = tpu.memref_slice %arg6[%mul3A_2] : memref<320000xf32, #tpu.memory_space<hbm>> -> memref<10000xf32, #tpu.memory_space<hbm>>
      %dma_start3A_129 = tpu.memref_slice %arg6[%mul3A_2] : memref<320000xf32, #tpu.memory_space<hbm>> -> memref<10000xf32, #tpu.memory_space<hbm>>
      tpu.enqueue_dma source(%arg9 : memref<10000xf32, #tpu.memory_space<vmem>>) target(%dma_start3A_129 : memref<10000xf32, #tpu.memory_space<hbm>>) target_semaphore(%run_scoped3A : memref<!tpu.dma_semaphore, #tpu.memory_space<semaphore_mem>>)
      %dma_wait3A = tpu.memref_slice %arg6[%mul3A_2] : memref<320000xf32, #tpu.memory_space<hbm>> -> memref<10000xf32, #tpu.memory_space<hbm>>
      %dma_wait3A_130 = tpu.memref_slice %arg6[%mul3A_2] : memref<320000xf32, #tpu.memory_space<hbm>> -> memref<10000xf32, #tpu.memory_space<hbm>>
      tpu.wait_dma2 semaphore(%run_scoped3A : memref<!tpu.dma_semaphore, #tpu.memory_space<semaphore_mem>>) src(%arg9 : memref<10000xf32, #tpu.memory_space<vmem>>) dst(%dma_wait3A_130 : memref<10000xf32, #tpu.memory_space<hbm>>)
      tpu.yield
    }) : () -> ()
    return
  }
}

</mosaic_0001>

<sc_bundles>
// kernel: _run.3.cloned.1.call-start
scs
__scs_entry_jumppad:
0x0: {  	(pc) =	sbr.rel $0x88, $3  }
0x1: {  	(tag) =	ssettag $0x0;
	lr =	simm.s32 $0x1  }
0x2: {  	[smem:$0x3F9E] =	sst lr;
	_ =	strace $0xD0000000  }
0x3: {  	_ = 	snop  }
0x4: {  	_ = 	snop  }
0x5: {  	_ = 	snop  }
0x6: {  	_ = 	snop  }
0x7: {  	_ = 	snop  }
__scs_overlays_trampoline_lowered:
0x8: {  	[smem:$0x3FAD] =	sst s0  }
0x9: {  	[smem:$0x3FAE] =	sst s1  }
0xa: {  	[smem:$0x3FAF] =	sst s2  }
0xb: {  	[smem:$0x3FB0] =	sst s3  }
0xc: {  	[smem:$0x3FB1] =	sst s4  }
0xd: {  	[smem:$0x3FB2] =	sst s5  }
0xe: {  	[smem:$0x3FB3] =	sst s6  }
0xf: {  	[smem:$0x3FB4] =	sst s7  }
0x10: {  	[smem:$0x3FB5] =	sst s8  }
0x11: {  	[smem:$0x3FB6] =	sst s9;
	s0 =	simm.s32 @!p0 $0x0  }
0x12: {  	s1 =	sld [smem:$0x3F9C];
	s0 =	simm.s32 @p0 $0x1  }
0x13: {  	[smem:$0x3FB7] =	sst s0;
	s0 =	simm.s32 @!p1 $0x0  }
0x14: {  	s2 =	sld [smem:$0x3F9B];
	s0 =	simm.s32 @p1 $0x1  }
0x15: {  	[smem:$0x3FB8] =	sst s0;
	s0 =	simm.s32 @!p2 $0x0  }
0x16: {  	s3 =	sld [smem:$0x3FDB];
	s0 =	simm.s32 @p2 $0x1  }
0x17: {  	s4 =	simm.s32 $0x1BF5;
	[smem:$0x3FBA] =	sst s0  }
0x18: {  	s0 =	sld [smem:$0x3F9D];
	_ =	swait.ge [sflag:s4], $0x0  }
0x19: {  	s7 =	sld [smem:$0x3F9E]  }
0x1a: {  	s8 =	sadd.s32 $0xFFFFE003, lr  }
0x1b: {  	s9 =	sadd.s32 $0xFFFFFEF7, lr;
	s5 =	simm.s32 $0xFFFFFFFF;
	p2 =	slt.u32 s8, $0xFFFFF086  }
0x1c: {  	p1 =	slt.u32 s9, $0xF7A;
	s5 =	simm.s32 @!p2 $0x0  }
0x1d: {  	s5 =	simm.s32 @p1 $0x1;
	p0 =	seq.s32 s7, s2  }
0x1e: {  	s7 =	smul.u32 @!p0 $0xF7A, s2;
	p2 =	seq.s32 @!p0 s5, $0x0  }
0x1f: {  	s9 =	smul.u32 $0xF7A, s1;
	s8 =	simm.s32 @!p0 $0x1BF5;
	p2 =	por !p2, p0  }
0x20: {  	[sflag:s8] =	ssyncset.s32 @!p0 $0xFFFFF086;
	s6 =	sadd.s32 @!p0 s3, s7;
	s7 =	simm.s32 @!p0 $0x108  }
0x21: {  	s3 =	sadd.s32 s3, s9;
	s6 =	sadd.s32 @!p0 $0x88, s6;
	s7 =	simm.s32 @p2 $0x1082  }
0x22: {  	[simem:s7], [sflag:s8] =	dma.local @!p0 [hbm:s6], $0xF7A  }
0x23: {  	s9 =	sor.u32 $0xD0000000, s2;
	s6 =	simm.s32 $0x108;
	_ =	swait.ge @!p0 [sflag:s8], $0x0  }
0x24: {  	s3 =	sadd.s32 $0x88, s3;
	s6 =	simm.s32 @!p1 $0x1082;
	[sflag:s4] =	ssyncset.s32 $0xFFFFF086  }
0x25: {  	[simem:s6], [sflag:s4] =	dma.local [hbm:s3], $0xF7A  }
0x26: {  	[smem:$0x3F9E] =	sst s1;
	(tag) =	ssettag s2;
	_ =	strace s9  }
0x27: {  	s1 =	sld [smem:$0x3FAE]  }
0x28: {  	s2 =	sld [smem:$0x3FAF]  }
0x29: {  	s4 =	sld [smem:$0x3FB1]  }
0x2a: {  	p0 =	seq.s32 s5, $0x0;
	s5 =	sld [smem:$0x3FB2]  }
0x2b: {  	s6 =	sld [smem:$0x3FB3]  }
0x2c: {  	s7 =	sld [smem:$0x3FB4]  }
0x2d: {  	s3 =	simm.s32 $0x108;
	s8 =	sld [smem:$0x3FB5]  }
0x2e: {  	s3 =	simm.s32 @!p0 $0x1082;
	s9 =	sld [smem:$0x3FB6]  }
0x2f: {  	lr =	sadd.s32 s0, s3;
	s0 =	sld [smem:$0x3FAD]  }
0x30: {  	s3 =	sld [smem:$0x3FB0]  }
0x31: {  	[smem:$0x3FB9] =	sst s10  }
0x32: {  	s10 =	sld [smem:$0x3FB7];
	_ =	sdelay $0x3  }
0x33: {  	p0 =	seq.s32 s10, $0x1;
	s10 =	sld [smem:$0x3FB9];
	_ =	sdelay $0x3  }
0x34: {  	[smem:$0x3FB9] =	sst s10  }
0x35: {  	s10 =	sld [smem:$0x3FB8];
	_ =	sdelay $0x3  }
0x36: {  	p1 =	seq.s32 s10, $0x1;
	s10 =	sld [smem:$0x3FB9];
	_ =	sdelay $0x3  }
0x37: {  	[smem:$0x3FB9] =	sst s10  }
0x38: {  	s10 =	sld [smem:$0x3FBA]  }
0x39: {  	_ = 	snop;
	(pc) =	sbr.ind lr, $3  }
0x3a: {  	_ = 	snop  }
0x3b: {  	_ = 	snop  }
0x3c: {  	p2 =	seq.s32 s10, $0x1;
	s10 =	sld [smem:$0x3FB9]  }
0x3d: {  	_ =	shalt  }
0x3e: {  	_ =	shalt  }
0x3f: {  	_ =	shalt  }
0x40: {  	_ =	shalt  }
0x41: {  	_ =	shalt  }
0x42: {  	_ =	shalt  }
0x43: {  	_ =	shalt  }
0x44: {  	_ =	shalt  }
0x45: {  	_ =	shalt  }
0x46: {  	_ =	shalt  }
0x47: {  	_ =	shalt  }
0x48: {  	_ =	shalt  }
0x49: {  	_ =	shalt  }
0x4a: {  	_ =	shalt  }
0x4b: {  	_ =	shalt  }
0x4c: {  	_ =	shalt  }
0x4d: {  	_ =	shalt  }
0x4e: {  	_ =	shalt  }
0x4f: {  	_ =	shalt  }
0x50: {  	_ =	shalt  }
0x51: {  	_ =	shalt  }
0x52: {  	_ =	shalt  }
0x53: {  	_ =	shalt  }
0x54: {  	_ =	shalt  }
0x55: {  	_ =	shalt  }
0x56: {  	_ =	shalt  }
0x57: {  	_ =	shalt  }
0x58: {  	_ =	shalt  }
0x59: {  	_ =	shalt  }
0x5a: {  	_ =	shalt  }
0x5b: {  	_ =	shalt  }
0x5c: {  	_ =	shalt  }
0x5d: {  	_ =	shalt  }
0x5e: {  	_ =	shalt  }
0x5f: {  	_ =	shalt  }
0x60: {  	_ =	shalt  }
0x61: {  	_ =	shalt  }
0x62: {  	_ =	shalt  }
0x63: {  	_ =	shalt  }
0x64: {  	_ =	shalt  }
0x65: {  	_ =	shalt  }
0x66: {  	_ =	shalt  }
0x67: {  	_ =	shalt  }
0x68: {  	_ =	shalt  }
0x69: {  	_ =	shalt  }
0x6a: {  	_ =	shalt  }
0x6b: {  	_ =	shalt  }
0x6c: {  	_ =	shalt  }
0x6d: {  	_ =	shalt  }
0x6e: {  	_ =	shalt  }
0x6f: {  	_ =	shalt  }
0x70: {  	_ =	shalt  }
0x71: {  	_ =	shalt  }
0x72: {  	_ =	shalt  }
0x73: {  	_ =	shalt  }
0x74: {  	_ =	shalt  }
0x75: {  	_ =	shalt  }
0x76: {  	_ =	shalt  }
0x77: {  	_ =	shalt  }
0x78: {  	_ =	shalt  }
0x79: {  	_ =	shalt  }
0x7a: {  	_ =	shalt  }
0x7b: {  	_ =	shalt  }
0x7c: {  	_ =	shalt  }
0x7d: {  	_ =	shalt  }
0x7e: {  	_ =	shalt  }
0x7f: {  	_ =	shalt  }
0x80: {  	_ =	shalt  }
0x81: {  	_ =	shalt  }
0x82: {  	_ =	shalt  }
0x83: {  	_ =	shalt  }
0x84: {  	_ =	shalt  }
0x85: {  	_ =	shalt  }
0x86: {  	_ =	shalt  }
0x87: {  	_ =	shalt  }
.Lfunc_end0:
.L_simem_size_0:
called_computation_lowered:
.L_overlay_start_0:
0x88: {  	s2 =	sld [smem:$0x3FD9]  }
0x89: {  	s3 =	sld [smem:$0x3FFE];
	_ =	sdelay $0x1  }
0x8a: {  	s1 =	srdreg.scid  }
0x8b: {  	s0 =	sand.u32 $0x1, s1  }
0x8c: {  	s17 =	sshll.u32 s0, $0xA;
	s2 =	sadd.s32 s3, s2  }
0x8d: {  	s2 =	sadd.s32 s2, s17  }
0x8e: {  	[smem:$0x3FC5] =	sst s2  }
0x8f: {  	_ = 	snop  }
0x90: {  	s2 =	sld [smem:$0x3FD0];
	(tm) =	ssettm $0x1  }
0x91: {  	s18 =	sld [smem:$0x3FFB];
	_ =	sdelay $0x3  }
0x92: {  	_ =	strace s18  }
0x93: {  	s3 =	sld [smem:$0x3FFC];
	_ =	sdelay $0x3  }
0x94: {  	_ =	strace s3  }
0x95: {  	s3 =	sld [smem:$0x3FFD];
	_ =	sdelay $0x3  }
0x96: {  	_ =	strace s3  }
0x97: {  	_ =	strace $0x8FFFFFFF  }
0x98: {  	s19 =	sld [smem:$0x3FDB];
	_ =	sdelay $0x1  }
0x99: {  	s4 =	simm.s32 $_scs_section_size  }
0x9a: {  	s5 =	simm.s32 $_size__tile_overlayer_lowered;
	s6 =	simm.s32 $_tile_overlayer_lowered  }
0x9b: {  	s22 =	simm.s32 $0x1BFF;
	s21 =	sshll.u32 s6, $0x1;
	s3 =	sadd.s32 s4, s19  }
0x9c: {  	s7 =	simm.s32 $0x0;
	s20 =	sshll.u32 s5, $0x1;
	s5 =	sadd.s32 s21, s3  }
0x9d: {  	[timem:s7], [sflag:s22] =	dma.local [hbm:s5], s20  }
0x9e: {  	_ =	swait.ge [sflag:s22], s20  }
0x9f: {  	s4 =	ssub.s32 $0x0, s20;
	[sflag:s22] =	ssyncset.done $0x0  }
0xa0: {  	[sflag:s22] =	ssyncadd.s32 s4;
	_ =	sdelay $0x1  }
0xa1: {  	s23 =	simm.s32 $0x1B8B  }
0xa2: {  	_ =	swait.ge [sflag:s23], $0x1  }
0xa3: {  	[sflag:s23] =	ssyncset.done $0x0  }
0xa4: {  	s25 =	simm.s32 $0x1B8E;
	s24 =	sld [smem:$0x3FFE];
	[sflag:s23] =	ssyncadd.s32 $0xFFFFFFFF  }
0xa5: {  	s26 =	simm.s32 $execute0_lowered;
	[smem:$0x3FD2] =	sst s25  }
0xa6: {  	s5 =	sshll.u32 s26, $0x1;
	_ =	strace $0x80000046;
	[dreg:$0x1] =	wrdreg $0xFFFFFFFF  }
0xa7: {  	s28 =	simm.s32 $_size_execute0_lowered;
	s3 =	sadd.s32 s3, s5;
	[dreg:$0x0] =	wrdreg $0x0  }
0xa8: {  	s5 =	sshll.u32 s28, $0x1;
	[dreg:$0x2] =	wrdreg s3  }
0xa9: {  	[dreg:$0x3] =	wrdreg s5  }
0xaa: {  	[dreg:$0x4] =	wrdreg $0xC0  }
0xab: {  	_ =	task [dreg:s7], $0x5FFFF  }
0xac: {  	[dreg:$0x1] =	wrdreg $0xFFFFFFFF  }
0xad: {  	[dreg:$0x0] =	wrdreg $0x60  }
0xae: {  	[dreg:$0x2] =	wrdreg s24  }
0xaf: {  	[dreg:$0x3] =	wrdreg s2  }
0xb0: {  	[dreg:$0x4] =	wrdreg $0x9  }
0xb1: {  	_ =	task.clear_ibuf [dreg:s7], $0x5FFFF;
	_ =	strace $0x90000046  }
0xb2: {  	s29 =	simm.s32 $0x9;
	_ =	strace $0x80000048  }
0xb3: {  	_ =	swait.ge [sflag:s29], $0x1  }
0xb4: {  	[sflag:s29] =	ssyncadd.s32 $0xFFFFFFFF  }
0xb5: {  	_ =	strace $0x90000048  }
0xb6: {  	_ =	sfence  }
0xb7: {  	s30 =	sld [smem:$0x0];
	_ =	sdelay $0x2  }
0xb8: {  	s31 =	sshll.u32 s1, $0xD;
	s1 =	sshrl.u32 s1, $0x2  }
0xb9: {  	s3 =	sand.u32 $0x4000, s31;
	s1 =	sadd.s32 s1, s30  }
0xba: {  	s0 =	sor.u32 s3, s0;
	s1 =	sshll.u32 s1, $0x11  }
0xbb: {  	s0 =	sor.u32 s1, s0  }
0xbc: {  	s0 =	sadd.s32 $0x8F2B, s0  }
0xbd: {  	[sflag:s0] =	ssyncadd.remote.s32 $0x1  }
0xbe: {  	_ =	sfence.sel $0xFFFF  }
0xbf: {  	[dreg:$0x0] =	wrdreg $0xFFFFFFFF;
	(pc) =	sbr.abs _section_cstart, $3  }
0xc0: {  	[dreg:$0x1] =	wrdreg $0xFFFFFFFF  }
0xc1: {  	_ =	task.clear_ibuf [dreg:s7], $0x2FFFF;
	_ =	strace $0x9FFFFFFF  }
0xc2: {  	(tm) =	ssettm $0x7FFFFFFF  }
0xc3: {  	_ =	shalt  }
tec
execute0_lowered:
.L_overlay_start_1:
0x0: {  	(tag) =	ssettag $0x1  }
0x1: {  	s0 =	rddreg [dreg:$0x0];
	s1 =	srdreg.scid  }
0x2: {  	s2 =	stileid.u32;
	s7 =	rddreg [dreg:$0x1];
	v0 =	vlaneseq.u32  }
0x3: {  	s9 =	simm.s32 $0x3;
	s10 =	simm.s32 $0x2710;
	s11 =	simm.s32 $0x50;
	v1 =	vadd.s32 $0x11, v0  }
0x4: {  	s25 =	simm.s32 $0x140;
	s26 =	simm.s32 $0xC640;
	s28 =	simm.s32 $0x2850;
	v2 =	vadd.s32 $0x22, v0;
	v3 =	vadd.s32 $0x33, v0;
	v4 =	vadd.s32 $0x44, v0  }
0x5: {  	s29 =	simm.s32 $0x13E40;
	s30 =	simm.s32 $0x190;
	s31 =	simm.s32 $0xDA40;
	v5 =	vadd.s32 $0x55, v0;
	v6 =	vadd.s32 $0x66, v0;
	v7 =	vadd.s32 $0x77, v0  }
0x6: {  	s12 =	simm.s32 $0x1;
	s13 =	simm.s32 $0x2;
	s14 =	simm.s32 $0x7530;
	v8 =	vadd.s32 $0x88, v0;
	v9 =	vadd.s32 $0x99, v0;
	v10 =	vadd.s32 $0xAA, v0  }
0x7: {  	s15 =	simm.s32 $0x4E20;
	s1 =	sand.u32 $0x1, s1;
	s3 =	sshll.u32 s2, $0x1;
	v11 =	vadd.s32 $0xBB, v0;
	v12 =	vadd.s32 $0xCC, v0;
	v13 =	vmul.u32 $0x11, v0  }
0x8: {  	s16 =	simm.s32 $0x0;
	s2 =	simm.s32 $0x0;
	v14 =	vadd.s32 $0xDD, v0;
	v15 =	vadd.s32 $0xEE, v0;
	v16 =	vadd.s32 $0xFF, v0;
	s3 =	sor.u32 s1, s3  }
0x9: {  	[smem:$0x7FF] =	sst s2;
	s1 =	ssub.s32 $0x2, s1;
	s8 =	smul.u32 $0x4E2, s3;
	v17 =	vadd.s32 $0x1, v13;
	v18 =	vadd.s32 $0x2, v13;
	v19 =	vadd.s32 $0x3, v13  }
0xa: {  	s4 =	sadd.s32 $0x14000, s0;
	_ =	strace $0x80000047;
	s5 =	sshrl.u32 s1, $0x1;
	v20 =	vadd.s32 $0x4, v13;
	v21 =	vadd.s32 $0x5, v13;
	v22 =	vadd.s32 $0x6, v13  }
0xb: {  	s3 =	sadd.s32 $0x600, s0;
	v23 =	vadd.s32 $0x7, v13;
	v24 =	vadd.s32 $0x8, v13;
	v25 =	vadd.s32 $0x9, v13;
	s1 =	ssub.s32 s1, s5;
	s0 =	sadd.s32 s8, s0  }
0xc: {  	v26 =	vadd.s32 $0xA, v13;
	v27 =	vadd.s32 $0xB, v13;
	v28 =	vadd.s32 $0xC, v13;
	s7 =	sadd.s32 s7, s8;
	s8 =	smax.u32 s1, $0x1;
	s1 =	simm.s32 $0x28A0  }
0xd: {  	v29 =	vadd.s32 $0xD, v13;
	v30 =	vadd.s32 $0xE, v13;
	v31 =	vadd.s32 $0xF, v13;
	s5 =	sadd.s32 $0x31800, s0;
	s6 =	sadd.s32 $0x27A00, s0;
	s0 =	simm.s32 $0x15240  }
.LBB2_1:
0xe: {  	[tilespmem:s2], [sflag:$0x3] =	stream.linear.gather [hbm4b:s5+s2], $0x2710, $0x38;
	[tilespmem:$0x16640] =	vst v63  }
0xf: {  	_ =	swait.ge [sflag:s9], $0x2710  }
0x10: {  	[sflag:s9] =	ssyncset.done $0x0  }
0x11: {  	[sflag:s9] =	ssyncadd.s32 $0xFFFFD8F0  }
0x12: {  	[tilespmem:s10], [sflag:$0x3] =	stream.linear.gather [hbm4b:s6+s2], $0x2710, $0x38;
	[tilespmem:$0x16640] =	vst v63  }
0x13: {  	_ =	swait.ge [sflag:s9], $0x2710  }
0x14: {  	[sflag:s9] =	ssyncset.done $0x0  }
0x15: {  	s17 =	simm.s32 $0x7640;
	[sflag:s9] =	ssyncadd.s32 $0xFFFFD8F0  }
0x16: {  	[tilespmem:s17], [sflag:$0x1] =	stream.indirect.gather [hbm4b:s3+s11], $0x40, s2, s11, $0xb8;
	[tilespmem:$0x16640] =	vst v63  }
0x17: {  	s20 =	simm.s32 $0xEE40  }
0x18: {  	[tilespmem:s20], [sflag:$0x2] =	stream.indirect.gather [hbm4b:s4+s11], $0x40, s10, s11, $0xb8;
	[tilespmem:$0x16640] =	vst v63  }
0x19: {  	s21 =	simm.s32 $0x8A40  }
0x1a: {  	[tilespmem:s21], [sflag:$0x1] =	stream.indirect.gather [hbm4b:s3+s11], $0x40, s11, s11, $0xb8;
	[tilespmem:$0x16640] =	vst v63  }
0x1b: {  	s22 =	simm.s32 $0x2760;
	s18 =	simm.s32 $0x10240  }
0x1c: {  	[tilespmem:s18], [sflag:$0x2] =	stream.indirect.gather [hbm4b:s4+s11], $0x40, s22, s11, $0xb8;
	[tilespmem:$0x16640] =	vst v63  }
0x1d: {  	s23 =	simm.s32 $0xA0;
	s24 =	simm.s32 $0x9E40  }
0x1e: {  	[tilespmem:s24], [sflag:$0x1] =	stream.indirect.gather [hbm4b:s3+s11], $0x40, s23, s11, $0xb8;
	[tilespmem:$0x16640] =	vst v63  }
0x1f: {  	s19 =	simm.s32 $0x27B0;
	s20 =	simm.s32 $0x11640  }
0x20: {  	[tilespmem:s20], [sflag:$0x2] =	stream.indirect.gather [hbm4b:s4+s11], $0x40, s19, s11, $0xb8;
	[tilespmem:$0x16640] =	vst v63  }
0x21: {  	s21 =	simm.s32 $0xF0;
	s22 =	simm.s32 $0xB240  }
0x22: {  	[tilespmem:s22], [sflag:$0x1] =	stream.indirect.gather [hbm4b:s3+s11], $0x40, s21, s11, $0xb8;
	[tilespmem:$0x16640] =	vst v63  }
0x23: {  	s23 =	simm.s32 $0x2800;
	s24 =	simm.s32 $0x12A40  }
0x24: {  	[tilespmem:s24], [sflag:$0x2] =	stream.indirect.gather [hbm4b:s4+s11], $0x40, s23, s11, $0xb8;
	[tilespmem:$0x16640] =	vst v63  }
0x25: {  	_ = 	snop  }
0x26: {  	[tilespmem:s26], [sflag:$0x1] =	stream.indirect.gather [hbm4b:s3+s11], $0x40, s25, s11, $0xb8;
	[tilespmem:$0x16640] =	vst v63  }
0x27: {  	_ = 	snop  }
0x28: {  	[tilespmem:s29], [sflag:$0x2] =	stream.indirect.gather [hbm4b:s4+s11], $0x40, s28, s11, $0xb8;
	[tilespmem:$0x16640] =	vst v63  }
0x29: {  	_ = 	snop  }
0x2a: {  	[tilespmem:s31], [sflag:$0x1] =	stream.indirect.gather [hbm4b:s3+s11], $0x40, s30, s11, $0xb8;
	[tilespmem:$0x16640] =	vst v63  }
0x2b: {  	s18 =	simm.s32 $0x0;
	s19 =	simm.s32 $0x0;
	s22 =	simm.s32 $0x4E20  }
0x2c: {  	[tilespmem:s0], [sflag:$0x2] =	stream.indirect.gather [hbm4b:s4+s11], $0x40, s1, s11, $0xb8;
	[tilespmem:$0x16640] =	vst v63  }
.LBB2_2:
0x2d: {  	s17 =	smul.u32 $0x5000, s18;
	_ =	sdelay $0x1  }
0x2e: {  	_ =	swait.ge [sflag:s12], $0x1400;
	s17 =	sshra.s32 s17, $0x2  }
0x2f: {  	[sflag:s12] =	ssyncset.done $0x0;
	s23 =	sadd.s32 $0x7840, s17  }
0x30: {  	[sflag:s12] =	ssyncadd.s32 $0xFFFFEC00;
	s17 =	sadd.s32 $0xF040, s17;
	v32 =	vmov s23  }
0x31: {  	_ =	swait.ge [sflag:s13], $0x1400;
	v33 =	vmov s17  }
0x32: {  	s20 =	smul.u32 $0x1400, s18;
	[sflag:s13] =	ssyncset.done $0x0  }
0x33: {  	s21 =	simm.s32 $0x0;
	s17 =	smov.u32 s22;
	[sflag:s13] =	ssyncadd.s32 $0xFFFFEC00  }
.LBB2_3:
0x34: {  	s23 =	sshra.s32 s21, $0x2  }
0x35: {  	v34 =	vld.idx.msk [tilespmem:v32+s23+$0xFFFFFE00 ss:$0x1], $0xffff  }
0x36: {  	v35 =	vld.idx.msk [tilespmem:v33+s23+$0xFFFFFE00 ss:$0x1], $0xffff  }
0x37: {  	v36 =	vld.idx.msk [tilespmem:v32+s23+$0xFFFFFE10 ss:$0x1], $0xffff  }
0x38: {  	v37 =	vld.idx.msk [tilespmem:v33+s23+$0xFFFFFE10 ss:$0x1], $0xffff  }
0x39: {  	v38 =	vld.idx.msk [tilespmem:v32+s23+$0xFFFFFE20 ss:$0x1], $0xffff  }
0x3a: {  	v39 =	vld.idx.msk [tilespmem:v33+s23+$0xFFFFFE20 ss:$0x1], $0xffff  }
0x3b: {  	v40 =	vld.idx.msk [tilespmem:v32+s23+$0xFFFFFE30 ss:$0x1], $0xffff  }
0x3c: {  	v41 =	vld.idx.msk [tilespmem:v33+s23+$0xFFFFFE30 ss:$0x1], $0xffff;
	_ =	sdelay $0x3  }
0x3d: {  	v34 =	vmul.bf16 v35, v34;
	v53 =	vmul.bf16 v37, v36  }
0x3e: {  	v54 =	vmul.bf16 v39, v38;
	v55 =	vmul.bf16 v41, v40;
	_ =	sdelay $0x1  }
0x3f: {  	v34 =	vadd.bf16 v53, v34;
	v56 =	vadd.bf16 v55, v54;
	_ =	sdelay $0x1  }
0x40: {  	v34 =	vadd.bf16 v56, v34;
	_ =	sdelay $0x1  }
0x41: {  	v35 =	vunpack.i.u.bf16.f32 v34;
	v34 =	vunpack.i.l.bf16.f32 v34  }
0x42: {  	v34 =	vadd.f32 v34, v35;
	_ =	sdelay $0x1  }
0x43: {  	[tilespmem:v0+s14+$0x0] =	vst.idx.msk $0xffff, v34  }
0x44: {  	v34 =	vld.idx.msk [tilespmem:v32+s23+$0xFFFFFE40 ss:$0x1], $0xffff  }
0x45: {  	v57 =	vld.idx.msk [tilespmem:v33+s23+$0xFFFFFE40 ss:$0x1], $0xffff  }
0x46: {  	v58 =	vld.idx.msk [tilespmem:v32+s23+$0xFFFFFE50 ss:$0x1], $0xffff  }
0x47: {  	v59 =	vld.idx.msk [tilespmem:v33+s23+$0xFFFFFE50 ss:$0x1], $0xffff  }
0x48: {  	v60 =	vld.idx.msk [tilespmem:v32+s23+$0xFFFFFE60 ss:$0x1], $0xffff  }
0x49: {  	v61 =	vld.idx.msk [tilespmem:v33+s23+$0xFFFFFE60 ss:$0x1], $0xffff  }
0x4a: {  	v62 =	vld.idx.msk [tilespmem:v32+s23+$0xFFFFFE70 ss:$0x1], $0xffff  }
0x4b: {  	v63 =	vld.idx.msk [tilespmem:v33+s23+$0xFFFFFE70 ss:$0x1], $0xffff;
	_ =	sdelay $0x3  }
0x4c: {  	v34 =	vmul.bf16 v57, v34;
	v42 =	vmul.bf16 v59, v58  }
0x4d: {  	v43 =	vmul.bf16 v61, v60;
	v44 =	vmul.bf16 v63, v62;
	_ =	sdelay $0x1  }
0x4e: {  	v34 =	vadd.bf16 v42, v34;
	v45 =	vadd.bf16 v44, v43;
	_ =	sdelay $0x1  }
0x4f: {  	v34 =	vadd.bf16 v45, v34;
	_ =	sdelay $0x1  }
0x50: {  	v35 =	vunpack.i.u.bf16.f32 v34;
	v34 =	vunpack.i.l.bf16.f32 v34  }
0x51: {  	v34 =	vadd.f32 v34, v35;
	_ =	sdelay $0x1  }
0x52: {  	[tilespmem:v1+s14+$0x0] =	vst.idx.msk $0xffff, v34  }
0x53: {  	v34 =	vld.idx.msk [tilespmem:v32+s23+$0xFFFFFE80 ss:$0x1], $0xffff  }
0x54: {  	v46 =	vld.idx.msk [tilespmem:v33+s23+$0xFFFFFE80 ss:$0x1], $0xffff  }
0x55: {  	v47 =	vld.idx.msk [tilespmem:v32+s23+$0xFFFFFE90 ss:$0x1], $0xffff  }
0x56: {  	v48 =	vld.idx.msk [tilespmem:v33+s23+$0xFFFFFE90 ss:$0x1], $0xffff  }
0x57: {  	v49 =	vld.idx.msk [tilespmem:v32+s23+$0xFFFFFEA0 ss:$0x1], $0xffff  }
0x58: {  	v50 =	vld.idx.msk [tilespmem:v33+s23+$0xFFFFFEA0 ss:$0x1], $0xffff  }
0x59: {  	v51 =	vld.idx.msk [tilespmem:v32+s23+$0xFFFFFEB0 ss:$0x1], $0xffff  }
0x5a: {  	v52 =	vld.idx.msk [tilespmem:v33+s23+$0xFFFFFEB0 ss:$0x1], $0xffff;
	_ =	sdelay $0x3  }
0x5b: {  	v34 =	vmul.bf16 v46, v34;
	v53 =	vmul.bf16 v48, v47  }
0x5c: {  	v54 =	vmul.bf16 v50, v49;
	v55 =	vmul.bf16 v52, v51;
	_ =	sdelay $0x1  }
0x5d: {  	v34 =	vadd.bf16 v53, v34;
	v56 =	vadd.bf16 v55, v54;
	_ =	sdelay $0x1  }
0x5e: {  	v34 =	vadd.bf16 v56, v34;
	_ =	sdelay $0x1  }
0x5f: {  	v35 =	vunpack.i.u.bf16.f32 v34;
	v34 =	vunpack.i.l.bf16.f32 v34  }
0x60: {  	v34 =	vadd.f32 v34, v35;
	_ =	sdelay $0x1  }
0x61: {  	[tilespmem:v2+s14+$0x0] =	vst.idx.msk $0xffff, v34  }
0x62: {  	v34 =	vld.idx.msk [tilespmem:v32+s23+$0xFFFFFEC0 ss:$0x1], $0xffff  }
0x63: {  	v57 =	vld.idx.msk [tilespmem:v33+s23+$0xFFFFFEC0 ss:$0x1], $0xffff  }
0x64: {  	v58 =	vld.idx.msk [tilespmem:v32+s23+$0xFFFFFED0 ss:$0x1], $0xffff  }
0x65: {  	v59 =	vld.idx.msk [tilespmem:v33+s23+$0xFFFFFED0 ss:$0x1], $0xffff  }
0x66: {  	v60 =	vld.idx.msk [tilespmem:v32+s23+$0xFFFFFEE0 ss:$0x1], $0xffff  }
0x67: {  	v61 =	vld.idx.msk [tilespmem:v33+s23+$0xFFFFFEE0 ss:$0x1], $0xffff  }
0x68: {  	v62 =	vld.idx.msk [tilespmem:v32+s23+$0xFFFFFEF0 ss:$0x1], $0xffff  }
0x69: {  	v63 =	vld.idx.msk [tilespmem:v33+s23+$0xFFFFFEF0 ss:$0x1], $0xffff;
	_ =	sdelay $0x3  }
0x6a: {  	v34 =	vmul.bf16 v57, v34;
	v42 =	vmul.bf16 v59, v58  }
0x6b: {  	v43 =	vmul.bf16 v61, v60;
	v44 =	vmul.bf16 v63, v62;
	_ =	sdelay $0x1  }
0x6c: {  	v34 =	vadd.bf16 v42, v34;
	v45 =	vadd.bf16 v44, v43;
	_ =	sdelay $0x1  }
0x6d: {  	v34 =	vadd.bf16 v45, v34;
	_ =	sdelay $0x1  }
0x6e: {  	v35 =	vunpack.i.u.bf16.f32 v34;
	v34 =	vunpack.i.l.bf16.f32 v34  }
0x6f: {  	v34 =	vadd.f32 v34, v35;
	_ =	sdelay $0x1  }
0x70: {  	[tilespmem:v3+s14+$0x0] =	vst.idx.msk $0xffff, v34  }
0x71: {  	v34 =	vld.idx.msk [tilespmem:v32+s23+$0xFFFFFF00 ss:$0x1], $0xffff  }
0x72: {  	v46 =	vld.idx.msk [tilespmem:v33+s23+$0xFFFFFF00 ss:$0x1], $0xffff  }
0x73: {  	v47 =	vld.idx.msk [tilespmem:v32+s23+$0xFFFFFF10 ss:$0x1], $0xffff  }
0x74: {  	v48 =	vld.idx.msk [tilespmem:v33+s23+$0xFFFFFF10 ss:$0x1], $0xffff  }
0x75: {  	v49 =	vld.idx.msk [tilespmem:v32+s23+$0xFFFFFF20 ss:$0x1], $0xffff  }
0x76: {  	v50 =	vld.idx.msk [tilespmem:v33+s23+$0xFFFFFF20 ss:$0x1], $0xffff  }
0x77: {  	v51 =	vld.idx.msk [tilespmem:v32+s23+$0xFFFFFF30 ss:$0x1], $0xffff  }
0x78: {  	v52 =	vld.idx.msk [tilespmem:v33+s23+$0xFFFFFF30 ss:$0x1], $0xffff;
	_ =	sdelay $0x3  }
0x79: {  	v34 =	vmul.bf16 v46, v34;
	v53 =	vmul.bf16 v48, v47  }
0x7a: {  	v54 =	vmul.bf16 v50, v49;
	v55 =	vmul.bf16 v52, v51;
	_ =	sdelay $0x1  }
0x7b: {  	v34 =	vadd.bf16 v53, v34;
	v56 =	vadd.bf16 v55, v54;
	_ =	sdelay $0x1  }
0x7c: {  	v34 =	vadd.bf16 v56, v34;
	_ =	sdelay $0x1  }
0x7d: {  	v35 =	vunpack.i.u.bf16.f32 v34;
	v34 =	vunpack.i.l.bf16.f32 v34  }
0x7e: {  	v34 =	vadd.f32 v34, v35;
	_ =	sdelay $0x1  }
0x7f: {  	[tilespmem:v4+s14+$0x0] =	vst.idx.msk $0xffff, v34  }
0x80: {  	v34 =	vld.idx.msk [tilespmem:v32+s23+$0xFFFFFF40 ss:$0x1], $0xffff  }
0x81: {  	v57 =	vld.idx.msk [tilespmem:v33+s23+$0xFFFFFF40 ss:$0x1], $0xffff  }
0x82: {  	v58 =	vld.idx.msk [tilespmem:v32+s23+$0xFFFFFF50 ss:$0x1], $0xffff  }
0x83: {  	v59 =	vld.idx.msk [tilespmem:v33+s23+$0xFFFFFF50 ss:$0x1], $0xffff  }
0x84: {  	v60 =	vld.idx.msk [tilespmem:v32+s23+$0xFFFFFF60 ss:$0x1], $0xffff  }
0x85: {  	v61 =	vld.idx.msk [tilespmem:v33+s23+$0xFFFFFF60 ss:$0x1], $0xffff  }
0x86: {  	v62 =	vld.idx.msk [tilespmem:v32+s23+$0xFFFFFF70 ss:$0x1], $0xffff  }
0x87: {  	v63 =	vld.idx.msk [tilespmem:v33+s23+$0xFFFFFF70 ss:$0x1], $0xffff;
	_ =	sdelay $0x3  }
0x88: {  	v34 =	vmul.bf16 v57, v34;
	v42 =	vmul.bf16 v59, v58  }
0x89: {  	v43 =	vmul.bf16 v61, v60;
	v44 =	vmul.bf16 v63, v62;
	_ =	sdelay $0x1  }
0x8a: {  	v34 =	vadd.bf16 v42, v34;
	v45 =	vadd.bf16 v44, v43;
	_ =	sdelay $0x1  }
0x8b: {  	v34 =	vadd.bf16 v45, v34;
	_ =	sdelay $0x1  }
0x8c: {  	v35 =	vunpack.i.u.bf16.f32 v34;
	v34 =	vunpack.i.l.bf16.f32 v34  }
0x8d: {  	v34 =	vadd.f32 v34, v35;
	_ =	sdelay $0x1  }
0x8e: {  	[tilespmem:v5+s14+$0x0] =	vst.idx.msk $0xffff, v34  }
0x8f: {  	v34 =	vld.idx.msk [tilespmem:v32+s23+$0xFFFFFF80 ss:$0x1], $0xffff  }
0x90: {  	v46 =	vld.idx.msk [tilespmem:v33+s23+$0xFFFFFF80 ss:$0x1], $0xffff  }
0x91: {  	v47 =	vld.idx.msk [tilespmem:v32+s23+$0xFFFFFF90 ss:$0x1], $0xffff  }
0x92: {  	v48 =	vld.idx.msk [tilespmem:v33+s23+$0xFFFFFF90 ss:$0x1], $0xffff  }
0x93: {  	v49 =	vld.idx.msk [tilespmem:v32+s23+$0xFFFFFFA0 ss:$0x1], $0xffff  }
0x94: {  	v50 =	vld.idx.msk [tilespmem:v33+s23+$0xFFFFFFA0 ss:$0x1], $0xffff  }
0x95: {  	v51 =	vld.idx.msk [tilespmem:v32+s23+$0xFFFFFFB0 ss:$0x1], $0xffff  }
0x96: {  	v52 =	vld.idx.msk [tilespmem:v33+s23+$0xFFFFFFB0 ss:$0x1], $0xffff;
	_ =	sdelay $0x3  }
0x97: {  	v34 =	vmul.bf16 v46, v34;
	v53 =	vmul.bf16 v48, v47  }
0x98: {  	v54 =	vmul.bf16 v50, v49;
	v55 =	vmul.bf16 v52, v51;
	_ =	sdelay $0x1  }
0x99: {  	v34 =	vadd.bf16 v53, v34;
	v56 =	vadd.bf16 v55, v54;
	_ =	sdelay $0x1  }
0x9a: {  	v34 =	vadd.bf16 v56, v34;
	_ =	sdelay $0x1  }
0x9b: {  	v35 =	vunpack.i.u.bf16.f32 v34;
	v34 =	vunpack.i.l.bf16.f32 v34  }
0x9c: {  	v34 =	vadd.f32 v34, v35;
	_ =	sdelay $0x1  }
0x9d: {  	[tilespmem:v6+s14+$0x0] =	vst.idx.msk $0xffff, v34  }
0x9e: {  	v34 =	vld.idx.msk [tilespmem:v32+s23+$0xFFFFFFC0 ss:$0x1], $0xffff  }
0x9f: {  	v57 =	vld.idx.msk [tilespmem:v33+s23+$0xFFFFFFC0 ss:$0x1], $0xffff  }
0xa0: {  	v58 =	vld.idx.msk [tilespmem:v32+s23+$0xFFFFFFD0 ss:$0x1], $0xffff  }
0xa1: {  	v59 =	vld.idx.msk [tilespmem:v33+s23+$0xFFFFFFD0 ss:$0x1], $0xffff  }
0xa2: {  	v60 =	vld.idx.msk [tilespmem:v32+s23+$0xFFFFFFE0 ss:$0x1], $0xffff  }
0xa3: {  	v61 =	vld.idx.msk [tilespmem:v33+s23+$0xFFFFFFE0 ss:$0x1], $0xffff  }
0xa4: {  	v62 =	vld.idx.msk [tilespmem:v32+s23+$0xFFFFFFF0 ss:$0x1], $0xffff  }
0xa5: {  	v63 =	vld.idx.msk [tilespmem:v33+s23+$0xFFFFFFF0 ss:$0x1], $0xffff;
	_ =	sdelay $0x3  }
0xa6: {  	v34 =	vmul.bf16 v57, v34;
	v42 =	vmul.bf16 v59, v58  }
0xa7: {  	v43 =	vmul.bf16 v61, v60;
	v44 =	vmul.bf16 v63, v62;
	_ =	sdelay $0x1  }
0xa8: {  	v34 =	vadd.bf16 v42, v34;
	v45 =	vadd.bf16 v44, v43;
	_ =	sdelay $0x1  }
0xa9: {  	v34 =	vadd.bf16 v45, v34;
	_ =	sdelay $0x1  }
0xaa: {  	v35 =	vunpack.i.u.bf16.f32 v34;
	v34 =	vunpack.i.l.bf16.f32 v34  }
0xab: {  	v34 =	vadd.f32 v34, v35;
	_ =	sdelay $0x1  }
0xac: {  	[tilespmem:v7+s14+$0x0] =	vst.idx.msk $0xffff, v34  }
0xad: {  	v34 =	vld.idx.msk [tilespmem:v32+s23+$0x0 ss:$0x1], $0xffff  }
0xae: {  	v46 =	vld.idx.msk [tilespmem:v33+s23+$0x0 ss:$0x1], $0xffff  }
0xaf: {  	v47 =	vld.idx.msk [tilespmem:v32+s23+$0x10 ss:$0x1], $0xffff  }
0xb0: {  	v48 =	vld.idx.msk [tilespmem:v33+s23+$0x10 ss:$0x1], $0xffff  }
0xb1: {  	v49 =	vld.idx.msk [tilespmem:v32+s23+$0x20 ss:$0x1], $0xffff  }
0xb2: {  	v50 =	vld.idx.msk [tilespmem:v33+s23+$0x20 ss:$0x1], $0xffff  }
0xb3: {  	v51 =	vld.idx.msk [tilespmem:v32+s23+$0x30 ss:$0x1], $0xffff  }
0xb4: {  	v52 =	vld.idx.msk [tilespmem:v33+s23+$0x30 ss:$0x1], $0xffff;
	_ =	sdelay $0x3  }
0xb5: {  	v34 =	vmul.bf16 v46, v34;
	v53 =	vmul.bf16 v48, v47  }
0xb6: {  	v54 =	vmul.bf16 v50, v49;
	v55 =	vmul.bf16 v52, v51;
	_ =	sdelay $0x1  }
0xb7: {  	v34 =	vadd.bf16 v53, v34;
	v56 =	vadd.bf16 v55, v54;
	_ =	sdelay $0x1  }
0xb8: {  	v34 =	vadd.bf16 v56, v34;
	_ =	sdelay $0x1  }
0xb9: {  	v35 =	vunpack.i.u.bf16.f32 v34;
	v34 =	vunpack.i.l.bf16.f32 v34  }
0xba: {  	v34 =	vadd.f32 v34, v35;
	_ =	sdelay $0x1  }
0xbb: {  	[tilespmem:v8+s14+$0x0] =	vst.idx.msk $0xffff, v34  }
0xbc: {  	v34 =	vld.idx.msk [tilespmem:v32+s23+$0x40 ss:$0x1], $0xffff  }
0xbd: {  	v57 =	vld.idx.msk [tilespmem:v33+s23+$0x40 ss:$0x1], $0xffff  }
0xbe: {  	v58 =	vld.idx.msk [tilespmem:v32+s23+$0x50 ss:$0x1], $0xffff  }
0xbf: {  	v59 =	vld.idx.msk [tilespmem:v33+s23+$0x50 ss:$0x1], $0xffff  }
0xc0: {  	v60 =	vld.idx.msk [tilespmem:v32+s23+$0x60 ss:$0x1], $0xffff  }
0xc1: {  	v61 =	vld.idx.msk [tilespmem:v33+s23+$0x60 ss:$0x1], $0xffff  }
0xc2: {  	v62 =	vld.idx.msk [tilespmem:v32+s23+$0x70 ss:$0x1], $0xffff  }
0xc3: {  	v63 =	vld.idx.msk [tilespmem:v33+s23+$0x70 ss:$0x1], $0xffff;
	_ =	sdelay $0x3  }
0xc4: {  	v34 =	vmul.bf16 v57, v34;
	v42 =	vmul.bf16 v59, v58  }
0xc5: {  	v43 =	vmul.bf16 v61, v60;
	v44 =	vmul.bf16 v63, v62;
	_ =	sdelay $0x1  }
0xc6: {  	v34 =	vadd.bf16 v42, v34;
	v45 =	vadd.bf16 v44, v43;
	_ =	sdelay $0x1  }
0xc7: {  	v34 =	vadd.bf16 v45, v34;
	_ =	sdelay $0x1  }
0xc8: {  	v35 =	vunpack.i.u.bf16.f32 v34;
	v34 =	vunpack.i.l.bf16.f32 v34  }
0xc9: {  	v34 =	vadd.f32 v34, v35;
	_ =	sdelay $0x1  }
0xca: {  	[tilespmem:v9+s14+$0x0] =	vst.idx.msk $0xffff, v34  }
0xcb: {  	v34 =	vld.idx.msk [tilespmem:v32+s23+$0x80 ss:$0x1], $0xffff  }
0xcc: {  	v46 =	vld.idx.msk [tilespmem:v33+s23+$0x80 ss:$0x1], $0xffff  }
0xcd: {  	v47 =	vld.idx.msk [tilespmem:v32+s23+$0x90 ss:$0x1], $0xffff  }
0xce: {  	v48 =	vld.idx.msk [tilespmem:v33+s23+$0x90 ss:$0x1], $0xffff  }
0xcf: {  	v49 =	vld.idx.msk [tilespmem:v32+s23+$0xA0 ss:$0x1], $0xffff  }
0xd0: {  	v50 =	vld.idx.msk [tilespmem:v33+s23+$0xA0 ss:$0x1], $0xffff  }
0xd1: {  	v51 =	vld.idx.msk [tilespmem:v32+s23+$0xB0 ss:$0x1], $0xffff  }
0xd2: {  	v52 =	vld.idx.msk [tilespmem:v33+s23+$0xB0 ss:$0x1], $0xffff;
	_ =	sdelay $0x3  }
0xd3: {  	v34 =	vmul.bf16 v46, v34;
	v53 =	vmul.bf16 v48, v47  }
0xd4: {  	v54 =	vmul.bf16 v50, v49;
	v55 =	vmul.bf16 v52, v51;
	_ =	sdelay $0x1  }
0xd5: {  	v34 =	vadd.bf16 v53, v34;
	v56 =	vadd.bf16 v55, v54;
	_ =	sdelay $0x1  }
0xd6: {  	v34 =	vadd.bf16 v56, v34;
	_ =	sdelay $0x1  }
0xd7: {  	v35 =	vunpack.i.u.bf16.f32 v34;
	v34 =	vunpack.i.l.bf16.f32 v34  }
0xd8: {  	v34 =	vadd.f32 v34, v35;
	_ =	sdelay $0x1  }
0xd9: {  	[tilespmem:v10+s14+$0x0] =	vst.idx.msk $0xffff, v34  }
0xda: {  	v34 =	vld.idx.msk [tilespmem:v32+s23+$0xC0 ss:$0x1], $0xffff  }
0xdb: {  	v57 =	vld.idx.msk [tilespmem:v33+s23+$0xC0 ss:$0x1], $0xffff  }
0xdc: {  	v58 =	vld.idx.msk [tilespmem:v32+s23+$0xD0 ss:$0x1], $0xffff  }
0xdd: {  	v59 =	vld.idx.msk [tilespmem:v33+s23+$0xD0 ss:$0x1], $0xffff  }
0xde: {  	v60 =	vld.idx.msk [tilespmem:v32+s23+$0xE0 ss:$0x1], $0xffff  }
0xdf: {  	v61 =	vld.idx.msk [tilespmem:v33+s23+$0xE0 ss:$0x1], $0xffff  }
0xe0: {  	v62 =	vld.idx.msk [tilespmem:v32+s23+$0xF0 ss:$0x1], $0xffff  }
0xe1: {  	v63 =	vld.idx.msk [tilespmem:v33+s23+$0xF0 ss:$0x1], $0xffff;
	_ =	sdelay $0x3  }
0xe2: {  	v34 =	vmul.bf16 v57, v34;
	v42 =	vmul.bf16 v59, v58  }
0xe3: {  	v43 =	vmul.bf16 v61, v60;
	v44 =	vmul.bf16 v63, v62;
	_ =	sdelay $0x1  }
0xe4: {  	v34 =	vadd.bf16 v42, v34;
	v45 =	vadd.bf16 v44, v43;
	_ =	sdelay $0x1  }
0xe5: {  	v34 =	vadd.bf16 v45, v34;
	_ =	sdelay $0x1  }
0xe6: {  	v35 =	vunpack.i.u.bf16.f32 v34;
	v34 =	vunpack.i.l.bf16.f32 v34  }
0xe7: {  	v34 =	vadd.f32 v34, v35;
	_ =	sdelay $0x1  }
0xe8: {  	[tilespmem:v11+s14+$0x0] =	vst.idx.msk $0xffff, v34  }
0xe9: {  	v34 =	vld.idx.msk [tilespmem:v32+s23+$0x100 ss:$0x1], $0xffff  }
0xea: {  	v46 =	vld.idx.msk [tilespmem:v33+s23+$0x100 ss:$0x1], $0xffff  }
0xeb: {  	v47 =	vld.idx.msk [tilespmem:v32+s23+$0x110 ss:$0x1], $0xffff  }
0xec: {  	v48 =	vld.idx.msk [tilespmem:v33+s23+$0x110 ss:$0x1], $0xffff  }
0xed: {  	v49 =	vld.idx.msk [tilespmem:v32+s23+$0x120 ss:$0x1], $0xffff  }
0xee: {  	v50 =	vld.idx.msk [tilespmem:v33+s23+$0x120 ss:$0x1], $0xffff  }
0xef: {  	v51 =	vld.idx.msk [tilespmem:v32+s23+$0x130 ss:$0x1], $0xffff  }
0xf0: {  	v52 =	vld.idx.msk [tilespmem:v33+s23+$0x130 ss:$0x1], $0xffff;
	_ =	sdelay $0x3  }
0xf1: {  	v34 =	vmul.bf16 v46, v34;
	v53 =	vmul.bf16 v48, v47  }
0xf2: {  	v54 =	vmul.bf16 v50, v49;
	v55 =	vmul.bf16 v52, v51;
	_ =	sdelay $0x1  }
0xf3: {  	v34 =	vadd.bf16 v53, v34;
	v56 =	vadd.bf16 v55, v54;
	_ =	sdelay $0x1  }
0xf4: {  	v34 =	vadd.bf16 v56, v34;
	_ =	sdelay $0x1  }
0xf5: {  	v35 =	vunpack.i.u.bf16.f32 v34;
	v34 =	vunpack.i.l.bf16.f32 v34  }
0xf6: {  	v34 =	vadd.f32 v34, v35;
	_ =	sdelay $0x1  }
0xf7: {  	[tilespmem:v12+s14+$0x0] =	vst.idx.msk $0xffff, v34  }
0xf8: {  	v34 =	vld.idx.msk [tilespmem:v32+s23+$0x140 ss:$0x1], $0xffff  }
0xf9: {  	v57 =	vld.idx.msk [tilespmem:v33+s23+$0x140 ss:$0x1], $0xffff  }
0xfa: {  	v58 =	vld.idx.msk [tilespmem:v32+s23+$0x150 ss:$0x1], $0xffff  }
0xfb: {  	v59 =	vld.idx.msk [tilespmem:v33+s23+$0x150 ss:$0x1], $0xffff  }
0xfc: {  	v60 =	vld.idx.msk [tilespmem:v32+s23+$0x160 ss:$0x1], $0xffff  }
0xfd: {  	v61 =	vld.idx.msk [tilespmem:v33+s23+$0x160 ss:$0x1], $0xffff  }
0xfe: {  	v62 =	vld.idx.msk [tilespmem:v32+s23+$0x170 ss:$0x1], $0xffff  }
0xff: {  	v63 =	vld.idx.msk [tilespmem:v33+s23+$0x170 ss:$0x1], $0xffff;
	_ =	sdelay $0x3  }
0x100: {  	v34 =	vmul.bf16 v57, v34;
	v43 =	vmul.bf16 v59, v58  }
0x101: {  	v44 =	vmul.bf16 v61, v60;
	v45 =	vmul.bf16 v63, v62;
	_ =	sdelay $0x1  }
0x102: {  	v34 =	vadd.bf16 v43, v34;
	v46 =	vadd.bf16 v45, v44;
	_ =	sdelay $0x1  }
0x103: {  	v34 =	vadd.bf16 v46, v34;
	_ =	sdelay $0x1  }
0x104: {  	v35 =	vunpack.i.u.bf16.f32 v34;
	v34 =	vunpack.i.l.bf16.f32 v34  }
0x105: {  	v34 =	vadd.f32 v34, v35;
	_ =	sdelay $0x1  }
0x106: {  	[tilespmem:v14+s14+$0x0] =	vst.idx.msk $0xffff, v34  }
0x107: {  	v34 =	vld.idx.msk [tilespmem:v32+s23+$0x180 ss:$0x1], $0xffff  }
0x108: {  	v47 =	vld.idx.msk [tilespmem:v33+s23+$0x180 ss:$0x1], $0xffff  }
0x109: {  	v48 =	vld.idx.msk [tilespmem:v32+s23+$0x190 ss:$0x1], $0xffff  }
0x10a: {  	v49 =	vld.idx.msk [tilespmem:v33+s23+$0x190 ss:$0x1], $0xffff  }
0x10b: {  	v50 =	vld.idx.msk [tilespmem:v32+s23+$0x1A0 ss:$0x1], $0xffff  }
0x10c: {  	v51 =	vld.idx.msk [tilespmem:v33+s23+$0x1A0 ss:$0x1], $0xffff  }
0x10d: {  	v52 =	vld.idx.msk [tilespmem:v32+s23+$0x1B0 ss:$0x1], $0xffff  }
0x10e: {  	v53 =	vld.idx.msk [tilespmem:v33+s23+$0x1B0 ss:$0x1], $0xffff;
	_ =	sdelay $0x3  }
0x10f: {  	v34 =	vmul.bf16 v47, v34;
	v54 =	vmul.bf16 v49, v48  }
0x110: {  	v55 =	vmul.bf16 v51, v50;
	v56 =	vmul.bf16 v53, v52;
	_ =	sdelay $0x1  }
0x111: {  	v34 =	vadd.bf16 v54, v34;
	v57 =	vadd.bf16 v56, v55;
	_ =	sdelay $0x1  }
0x112: {  	v34 =	vadd.bf16 v57, v34;
	_ =	sdelay $0x1  }
0x113: {  	v35 =	vunpack.i.u.bf16.f32 v34;
	v34 =	vunpack.i.l.bf16.f32 v34  }
0x114: {  	v34 =	vadd.f32 v34, v35;
	_ =	sdelay $0x1  }
0x115: {  	[tilespmem:v15+s14+$0x0] =	vst.idx.msk $0xffff, v34  }
0x116: {  	v34 =	vld.idx.msk [tilespmem:v32+s23+$0x1C0 ss:$0x1], $0xffff  }
0x117: {  	v58 =	vld.idx.msk [tilespmem:v33+s23+$0x1C0 ss:$0x1], $0xffff  }
0x118: {  	v59 =	vld.idx.msk [tilespmem:v32+s23+$0x1D0 ss:$0x1], $0xffff  }
0x119: {  	v60 =	vld.idx.msk [tilespmem:v33+s23+$0x1D0 ss:$0x1], $0xffff  }
0x11a: {  	v61 =	vld.idx.msk [tilespmem:v32+s23+$0x1E0 ss:$0x1], $0xffff  }
0x11b: {  	v62 =	vld.idx.msk [tilespmem:v33+s23+$0x1E0 ss:$0x1], $0xffff  }
0x11c: {  	v63 =	vld.idx.msk [tilespmem:v32+s23+$0x1F0 ss:$0x1], $0xffff  }
0x11d: {  	v44 =	vld.idx.msk [tilespmem:v33+s23+$0x1F0 ss:$0x1], $0xffff;
	_ =	sdelay $0x3  }
0x11e: {  	v34 =	vmul.bf16 v58, v34;
	v45 =	vmul.bf16 v60, v59  }
0x11f: {  	v46 =	vmul.bf16 v62, v61;
	v47 =	vmul.bf16 v44, v63;
	_ =	sdelay $0x1  }
0x120: {  	v34 =	vadd.bf16 v45, v34;
	v48 =	vadd.bf16 v47, v46;
	_ =	sdelay $0x1  }
0x121: {  	v34 =	vadd.bf16 v48, v34;
	_ =	sdelay $0x1  }
0x122: {  	v35 =	vunpack.i.u.bf16.f32 v34;
	v34 =	vunpack.i.l.bf16.f32 v34  }
0x123: {  	v34 =	vadd.f32 v34, v35;
	_ =	sdelay $0x1  }
0x124: {  	[tilespmem:v16+s14+$0x0] =	vst.idx.msk $0xffff, v34  }
0x125: {  	v34 =	vld.idx.msk [tilespmem:v13+s14+$0x0], $0xffff;
	_ =	sdelay $0x1  }
0x126: {  	v49 =	vld.idx.msk [tilespmem:v17+s14+$0x0], $0xffff;
	_ =	sdelay $0x1  }
0x127: {  	v50 =	vld.idx.msk [tilespmem:v18+s14+$0x0], $0xffff  }
0x128: {  	v34 =	vadd.f32 $0.0e+00, v34  }
0x129: {  	v51 =	vld.idx.msk [tilespmem:v19+s14+$0x0], $0xffff  }
0x12a: {  	v34 =	vadd.f32 v49, v34  }
0x12b: {  	v52 =	vld.idx.msk [tilespmem:v20+s14+$0x0], $0xffff  }
0x12c: {  	v34 =	vadd.f32 v50, v34  }
0x12d: {  	v53 =	vld.idx.msk [tilespmem:v21+s14+$0x0], $0xffff  }
0x12e: {  	v34 =	vadd.f32 v51, v34  }
0x12f: {  	v54 =	vld.idx.msk [tilespmem:v22+s14+$0x0], $0xffff  }
0x130: {  	v34 =	vadd.f32 v52, v34  }
0x131: {  	v55 =	vld.idx.msk [tilespmem:v23+s14+$0x0], $0xffff  }
0x132: {  	v34 =	vadd.f32 v53, v34  }
0x133: {  	v56 =	vld.idx.msk [tilespmem:v24+s14+$0x0], $0xffff  }
0x134: {  	v34 =	vadd.f32 v54, v34  }
0x135: {  	v57 =	vld.idx.msk [tilespmem:v25+s14+$0x0], $0xffff  }
0x136: {  	v34 =	vadd.f32 v55, v34  }
0x137: {  	v58 =	vld.idx.msk [tilespmem:v26+s14+$0x0], $0xffff  }
0x138: {  	v34 =	vadd.f32 v56, v34  }
0x139: {  	v59 =	vld.idx.msk [tilespmem:v27+s14+$0x0], $0xffff  }
0x13a: {  	v34 =	vadd.f32 v57, v34  }
0x13b: {  	v60 =	vld.idx.msk [tilespmem:v28+s14+$0x0], $0xffff  }
0x13c: {  	v34 =	vadd.f32 v58, v34  }
0x13d: {  	v61 =	vld.idx.msk [tilespmem:v29+s14+$0x0], $0xffff  }
0x13e: {  	v34 =	vadd.f32 v59, v34  }
0x13f: {  	v62 =	vld.idx.msk [tilespmem:v30+s14+$0x0], $0xffff  }
0x140: {  	v34 =	vadd.f32 v60, v34  }
0x141: {  	v63 =	vld.idx.msk [tilespmem:v31+s14+$0x0], $0xffff  }
0x142: {  	v34 =	vadd.f32 v61, v34;
	_ =	sdelay $0x1  }
0x143: {  	v34 =	vadd.f32 v62, v34;
	_ =	sdelay $0x1  }
0x144: {  	v34 =	vadd.f32 v63, v34;
	_ =	sdelay $0x1  }
0x145: {  	v34 =	vsub.f32 $0.0e+00, v34;
	_ =	sdelay $0x1  }
0x146: {  	v34 =	vmul.f32 $1.442695020e+00, v34;
	_ =	sdelay $0x1  }
0x147: {  	(erf) = vpow2.f32 v34;
	_ =	sdelay $0x8  }
0x148: {  	v34 =	vpop (erf)  }
0x149: {  	v34 =	vadd.f32 $1.000000000e+00, v34;
	_ =	sdelay $0x1  }
0x14a: {  	(erf) = vrcp.f32 v34;
	_ =	sdelay $0x4  }
0x14b: {  	p0 =	sne.s32 s21, $0x4000  }
.Ltmp0:
0x14c: {  	_ = 	snop;
	(pc) =	sbr.rel @p0 .LBB2_3-.Ltmp0, $3  }
0x14d: {  	_ =	sdelay $0x1  }
0x14e: {  	v34 =	vpop (erf)  }
0x14f: {  	s21 =	sadd.s32 $0x1000, s21;
	[tilespmem:s17+$0x0] =	vst v34;
	s17 =	sadd.s32 $0x10, s17  }
0x150: {  	p0 =	sgt.u32 s19, $0x76  }
0x151: {  	s17 =	smul.u32 @!p0 $0x50, s19  }
0x152: {  	s23 =	sadd.s32 @!p0 $0x7640, s20;
	s19 =	sadd.s32 $0x1, s19  }
0x153: {  	s24 =	simm.s32 @!p0 $0x50;
	p1 =	sne.s32 s19, $0x7D;
	s21 =	sadd.s32 @!p0 $0x1E0, s17  }
0x154: {  	[tilespmem:s23], [sflag:$0x1] =	stream.indirect.gather @!p0 [hbm4b:s3+s24], $0x40, s21, s24, $0xb8;
	[tilespmem:$0x16640] =	vst v63  }
.Ltmp1:
0x155: {  	_ = 	snop;
	(pc) =	sbr.rel @p1 .LBB2_2-.Ltmp1, $4  }
0x156: {  	s18 =	sadd.s32 $0x1, s18;
	s20 =	sadd.s32 @!p0 $0xEE40, s20;
	s17 =	sadd.s32 @!p0 $0x28F0, s17  }
0x157: {  	[tilespmem:s20], [sflag:$0x2] =	stream.indirect.gather @!p0 [hbm4b:s4+s24], $0x40, s17, s24, $0xb8;
	[tilespmem:$0x16640] =	vst v63  }
0x158: {  	p0 =	seq.s32 s18, $0x6  }
0x159: {  	s22 =	sadd.s32 $0x50, s22;
	s18 =	simm.s32 @p0 $0x0  }
0x15a: {  	s16 =	sadd.s32 $0x1, s16  }
0x15b: {  	p0 =	sne.s32 s16, s8  }
.Ltmp2:
0x15c: {  	_ = 	snop;
	(pc) =	sbr.rel @p0 .LBB2_1-.Ltmp2, $4  }
0x15d: {  	[hbm4b:s7+s2] =	stream.linear.scatter [tilespmem:s15], [sflag:$0x3], $0x2710, $0x38;
	[tilespmem:$0x16640] =	vst v63  }
0x15e: {  	_ =	swait.ge [sflag:s9], $0x2710  }
0x15f: {  	[sflag:s9] =	ssyncset.done $0x0  }
0x160: {  	[sflag:s9] =	ssyncadd.s32 $0xFFFFD8F0  }
0x161: {  	_ =	sfence.sel $0x180000  }
0x162: {  	[bflag:$0x0] =	sbarrier.arrive $0xFFFF  }
0x163: {  	_ =	strace $0x90000047  }
0x164: {  	s0 =	stileid.u32;
	[bflag:$0x2] =	sbarrier.arrive $0xFFFF  }
0x165: {  	p0 =	sne.s32 s0, $0x0;
	s0 =	rddreg [dreg:$0x2]  }
0x166: {  	s0 =	sadd.s32 @!p0 $0x100000, s0  }
0x167: {  	[sflag:s0] =	ssyncadd.tile.s32 @!p0 $0x1;
	_ =	shalt  }
.Lfunc_end2:
_tile_overlayer_lowered:
.L_overlay_start_2:
0x168: {  	(tag) =	ssettag $0x2  }
0x169: {  	s0 =	rddreg [dreg:$0x0];
	s2 =	stileid.u32  }
0x16a: {  	s1 =	rddreg [dreg:$0x1];
	p0 =	sne.s32 s2, $0x0  }
0x16b: {  	s3 =	rddreg [dreg:$0x2];
	[bflag:$0x3] =	sbarrier.arrive $0xFFFF;
	s2 =	simm.s32 @!p0 $0x1C03  }
0x16c: {  	[timem:s3], [sflag:s2] =	dma.local @!p0 [hbm:s0], s1  }
0x16d: {  	s0 =	simm.s32 @!p0 $0x3  }
0x16e: {  	_ =	swait.ge @!p0 [sflag:s0], s1  }
0x16f: {  	s1 =	ssub.s32 @!p0 $0x0, s1;
	[sflag:s0] =	ssyncset.done @!p0 $0x0  }
0x170: {  	[sflag:s0] =	ssyncadd.s32 @!p0 s1  }
0x171: {  	[bflag:$0x3] =	sbarrier.arrive $0xFFFF  }
0x172: {  	_ =	shalt  }

</sc_bundles>
